<compile_context>
chip_gen: v7x
topology: tpu7x:2x2x1
jax: 0.10.2.dev20260603
libtpu: 0.0.44.dev20260713+nightly
codegen_flags: <defaults>
</compile_context>

<pallas_src>
import functools

import jax
import jax.numpy as jnp
from jax import lax
from jax.experimental import pallas as pl
from jax.experimental.pallas import tpu as pltpu
from jax.experimental.pallas import tpu_sc as plsc

K = 16
N = 100000
NUM_CORES = 2
NUM_SUBCORES = 16
NW = NUM_CORES * NUM_SUBCORES
LANES = 16
CHUNK = 3136
TAIL = N - (NW - 1) * CHUNK
BIGKEY = 1.0e30
NCAND = NW * K


def _sc_topk_body(xs_h, ys_h, zs_h, pc_h, out_h, xv, yv, zv, pv, stg, sem):
    cid = lax.axis_index("c")
    sid = lax.axis_index("s")
    wid = sid * NUM_CORES + cid
    base = wid * CHUNK

    @pl.when(wid < NW - 1)
    def _():
        c1 = pltpu.async_copy(xs_h.at[pl.ds(base, CHUNK)], xv, sem)
        c2 = pltpu.async_copy(ys_h.at[pl.ds(base, CHUNK)], yv, sem)
        c3 = pltpu.async_copy(zs_h.at[pl.ds(base, CHUNK)], zv, sem)
        c1.wait()
        c2.wait()
        c3.wait()

    @pl.when(wid == NW - 1)
    def _():
        c1 = pltpu.async_copy(xs_h.at[pl.ds(base, TAIL)],
                              xv.at[pl.ds(0, TAIL)], sem)
        c2 = pltpu.async_copy(ys_h.at[pl.ds(base, TAIL)],
                              yv.at[pl.ds(0, TAIL)], sem)
        c3 = pltpu.async_copy(zs_h.at[pl.ds(base, TAIL)],
                              zv.at[pl.ds(0, TAIL)], sem)
        c1.wait()
        c2.wait()
        c3.wait()

    pltpu.sync_copy(pc_h, pv)
    px = pv[pl.ds(0, LANES)]
    py = pv[pl.ds(LANES, LANES)]
    pz = pv[pl.ds(2 * LANES, LANES)]

    lane = lax.iota(jnp.int32, LANES)
    gbase = base + lane

    def step(i, carry):
        bk, bv = carry
        off = i * LANES
        dx = xv[pl.ds(off, LANES)] - px
        dy = yv[pl.ds(off, LANES)] - py
        dz = zv[pl.ds(off, LANES)] - pz
        d2 = dx * dx + dy * dy + dz * dz
        d2 = jnp.where(gbase + off < N, d2, BIGKEY)
        nk, nv = plsc.sort_key_val(d2, lane + off)
        rk = lax.rev(nk, (0,))
        rv = lax.rev(nv, (0,))
        take = bk <= rk
        mk = jnp.where(take, bk, rk)
        mv = jnp.where(take, bv, rv)
        sk, sv = plsc.sort_key_val(mk, mv)
        return sk, sv

    bk0 = jnp.full((LANES,), BIGKEY, jnp.float32)
    bv0 = jnp.zeros((LANES,), jnp.int32)
    bk, bv = lax.fori_loop(0, CHUNK // LANES, step, (bk0, bv0))

    fx = plsc.load_gather(xv, [bv])
    fy = plsc.load_gather(yv, [bv])
    fz = plsc.load_gather(zv, [bv])

    woff = wid * LANES
    stg[...] = bk
    pltpu.sync_copy(stg, out_h.at[pl.ds(0 * NCAND + woff, LANES)])
    stg[...] = (bv + base).astype(jnp.float32)
    pltpu.sync_copy(stg, out_h.at[pl.ds(1 * NCAND + woff, LANES)])
    stg[...] = fx
    pltpu.sync_copy(stg, out_h.at[pl.ds(2 * NCAND + woff, LANES)])
    stg[...] = fy
    pltpu.sync_copy(stg, out_h.at[pl.ds(3 * NCAND + woff, LANES)])
    stg[...] = fz
    pltpu.sync_copy(stg, out_h.at[pl.ds(4 * NCAND + woff, LANES)])


@functools.cache
def _make_sc_topk():
  return functools.partial(
    pl.kernel,
    out_type=jax.ShapeDtypeStruct((5 * NCAND,), jnp.float32),
    mesh=plsc.VectorSubcoreMesh(core_axis_name="c", subcore_axis_name="s",
                                num_cores=NUM_CORES,
                                num_subcores=NUM_SUBCORES),
    compiler_params=pltpu.CompilerParams(needs_layout_passes=False),
    scratch_types=(
        pltpu.VMEM((CHUNK,), jnp.float32),
        pltpu.VMEM((CHUNK,), jnp.float32),
        pltpu.VMEM((CHUNK,), jnp.float32),
        pltpu.VMEM((3 * LANES,), jnp.float32),
        pltpu.VMEM((LANES,), jnp.float32),
        pltpu.SemaphoreType.DMA,
    ),
  )(_sc_topk_body)


def _tc_finish_body(cand_ref, p_ref, nn_ref, wt_ref, b_ref, out_ref):
    BIG = jnp.float32(3.0e38)
    keys = jnp.sqrt(cand_ref[0:4, :])
    gidx = cand_ref[4:8, :]
    cx = cand_ref[8:12, :]
    cy = cand_ref[12:16, :]
    cz = cand_ref[16:20, :]

    row_ids = lax.broadcasted_iota(jnp.int32, (K, 1), 0)
    fx = jnp.zeros((K, 1), jnp.float32)
    fy = jnp.zeros((K, 1), jnp.float32)
    fz = jnp.zeros((K, 1), jnp.float32)
    for k in range(K):
        m = jnp.min(keys)
        j = jnp.min(jnp.where(keys == m, gidx, BIG))
        msk = gidx == j
        sel = lambda c: jnp.sum(jnp.where(msk, c, 0.0))
        rk = row_ids == k
        fx = fx + jnp.where(rk, sel(cx), 0.0)
        fy = fy + jnp.where(rk, sel(cy), 0.0)
        fz = fz + jnp.where(rk, sel(cz), 0.0)
        keys = jnp.where(msk, BIG, keys)

    p = p_ref[...]
    nn = nn_ref[...]
    diff = nn - p
    nrm = jnp.sqrt(jnp.sum(diff * diff, axis=1, keepdims=True))
    inp = jnp.concatenate(
        [jnp.broadcast_to(p, (K, 3)), nn, diff, nrm], axis=1)
    wt = wt_ref[...]
    bb = b_ref[...]
    r = bb + jnp.dot(inp, wt, preferred_element_type=jnp.float32)
    out_ref[...] = jnp.concatenate([r, fx, fy, fz], axis=1)


_tc_finish = pl.pallas_call(
    _tc_finish_body,
    out_shape=jax.ShapeDtypeStruct((K, 6), jnp.float32),
)


def kernel(xyz_feat, idx, W, b):
    xs = xyz_feat[:, 0]
    ys = xyz_feat[:, 1]
    zs = xyz_feat[:, 2]
    p = lax.dynamic_slice_in_dim(xyz_feat, idx, 1, axis=0)[0, :3]
    pc = jnp.repeat(p, LANES)

    cand = _make_sc_topk()(xs, ys, zs, pc)

    F = _tc_finish(
        cand.reshape(20, 128),
        p.reshape(1, 3),
        xyz_feat[:K, :3],
        W.T,
        b.reshape(1, 3),
    )
    return F

# --- scband reference (transcript-rebuilt; emitter-appended) ---
"""Pipeline reference for scband-loc-se-90640989815381 (READ-ONLY COPY).

The authoritative reference and input builder live on the scoring server;
editing this copy changes nothing except your own understanding.
"""

import jax, jax.numpy as jnp
import numpy as np

K = 16
D = 3
N = 100000


def setup_inputs(seed: int = 0) -> dict:
    key = jax.random.key(seed)
    k1, k2, k3 = jax.random.split(key, 3)
    xyz_feat = jax.random.normal(k1, (N, 6), dtype=jnp.float32)
    idx = 1000  # python int point index
    # MLP: Linear(in_features=10, out_features=3)
    W = jax.random.normal(k2, (D, 10), dtype=jnp.float32) * (1.0 / np.sqrt(10.0))
    b = jax.random.normal(k3, (D,), dtype=jnp.float32) * 0.01
    return {"xyz_feat": xyz_feat, "idx": idx, "W": W, "b": b}


def reference(xyz_feat, idx, W, b):
    # gather_neighbor: distances from all points to point idx, sort, take k nearest
    xyz = xyz_feat[:, :3]
    p = xyz[idx]
    norm = jnp.linalg.norm(xyz - p, axis=1)
    neighbor = jnp.argsort(norm)[:K]
    # relative_pos_enc for j in range(K): NOTE faithful to original code which
    # indexes xyz[k_idx] (i.e. the first K points), not xyz[nn_idx[k_idx]].
    center_point = xyz[idx]                      # (3,)
    nn_pts = xyz[:K]                             # (K, 3)
    nn_diff = nn_pts - center_point[None, :]     # (K, 3)
    nn_diff_norm = jnp.linalg.norm(nn_diff, axis=1, keepdims=True)  # (K, 1)
    inp = jnp.concatenate(
        [jnp.broadcast_to(center_point[None, :], (K, 3)), nn_pts, nn_diff, nn_diff_norm],
        axis=1,
    )  # (K, 10)
    r = inp @ W.T + b                            # (K, 3), reshape(-1, 3) already satisfied
    f = jnp.take(xyz_feat, neighbor, axis=0)[:, :3]  # (K, 3)
    F = jnp.concatenate([r, f], axis=1)          # (K, 6)
    return F

if __name__ == "__main__":
    import jax
    _d = setup_inputs()
    print(jax.jit(kernel)(*tuple(_d.values())))

</pallas_src>

<mosaic_0001>
#map = affine_map<(d0, d1) -> (0)>
module attributes {stable_mosaic.version = 14 : i64} {
  func.func @_sc_topk_body(%arg0: i32, %arg1: i32, %arg2: memref<100000xf32, #tpu.memory_space<hbm>>, %arg3: memref<100000xf32, #tpu.memory_space<hbm>>, %arg4: memref<100000xf32, #tpu.memory_space<hbm>>, %arg5: memref<48xf32, #tpu.memory_space<hbm>>, %arg6: memref<2560xf32, #tpu.memory_space<hbm>>, %arg7: memref<3136xf32, #tpu.memory_space<vmem>>, %arg8: memref<3136xf32, #tpu.memory_space<vmem>>, %arg9: memref<3136xf32, #tpu.memory_space<vmem>>, %arg10: memref<48xf32, #tpu.memory_space<vmem>>, %arg11: memref<16xf32, #tpu.memory_space<vmem>>, %arg12: memref<!tpu.dma_semaphore, #tpu.memory_space<semaphore_mem>>) attributes {dimension_semantics = [#tpu.dimension_semantics<core_parallel>, #tpu.dimension_semantics<subcore_parallel>], iteration_bounds = array<i64: 2, 16>, scalar_prefetch = 0 : i64, scratch_operands = 6 : i64, tpu.core_type = #tpu.core_type<sc_vector_subcore>, window_params = [{transform_indices = #map}, {transform_indices = #map}, {transform_indices = #map}, {transform_indices = #map}, {transform_indices = #map}]} {
    %mul3A = arith.constant 2 : i32
    %mul3A_0 = arith.muli %arg1, %mul3A : i32
    %add3A = arith.addi %mul3A_0, %arg0 : i32
    %mul3A_1 = arith.constant 3136 : i32
    %mul3A_2 = arith.muli %add3A, %mul3A_1 : i32
    %lt3A = arith.constant 31 : i32
    %lt3A_3 = arith.cmpi slt, %add3A, %lt3A : i32
    %convert_element_type3A = arith.extui %lt3A_3 : i1 to i32
    %cond3A = arith.constant 0 : i32
    %cond3A_4 = arith.cmpi ne, %convert_element_type3A, %cond3A : i32
    scf.if %cond3A_4 {
      %dma_start3A = tpu.memref_slice %arg2[%mul3A_2] : memref<100000xf32, #tpu.memory_space<hbm>> -> memref<3136xf32, #tpu.memory_space<hbm>>
      %dma_start3A_50 = tpu.memref_slice %arg2[%mul3A_2] : memref<100000xf32, #tpu.memory_space<hbm>> -> memref<3136xf32, #tpu.memory_space<hbm>>
      tpu.enqueue_dma source(%dma_start3A_50 : memref<3136xf32, #tpu.memory_space<hbm>>) target(%arg7 : memref<3136xf32, #tpu.memory_space<vmem>>) target_semaphore(%arg12 : memref<!tpu.dma_semaphore, #tpu.memory_space<semaphore_mem>>)
      %dma_start3A_51 = tpu.memref_slice %arg3[%mul3A_2] : memref<100000xf32, #tpu.memory_space<hbm>> -> memref<3136xf32, #tpu.memory_space<hbm>>
      %dma_start3A_52 = tpu.memref_slice %arg3[%mul3A_2] : memref<100000xf32, #tpu.memory_space<hbm>> -> memref<3136xf32, #tpu.memory_space<hbm>>
      tpu.enqueue_dma source(%dma_start3A_52 : memref<3136xf32, #tpu.memory_space<hbm>>) target(%arg8 : memref<3136xf32, #tpu.memory_space<vmem>>) target_semaphore(%arg12 : memref<!tpu.dma_semaphore, #tpu.memory_space<semaphore_mem>>)
      %dma_start3A_53 = tpu.memref_slice %arg4[%mul3A_2] : memref<100000xf32, #tpu.memory_space<hbm>> -> memref<3136xf32, #tpu.memory_space<hbm>>
      %dma_start3A_54 = tpu.memref_slice %arg4[%mul3A_2] : memref<100000xf32, #tpu.memory_space<hbm>> -> memref<3136xf32, #tpu.memory_space<hbm>>
      tpu.enqueue_dma source(%dma_start3A_54 : memref<3136xf32, #tpu.memory_space<hbm>>) target(%arg9 : memref<3136xf32, #tpu.memory_space<vmem>>) target_semaphore(%arg12 : memref<!tpu.dma_semaphore, #tpu.memory_space<semaphore_mem>>)
      %dma_wait3A = tpu.memref_slice %arg2[%mul3A_2] : memref<100000xf32, #tpu.memory_space<hbm>> -> memref<3136xf32, #tpu.memory_space<hbm>>
      %dma_wait3A_55 = tpu.memref_slice %arg2[%mul3A_2] : memref<100000xf32, #tpu.memory_space<hbm>> -> memref<3136xf32, #tpu.memory_space<hbm>>
      tpu.wait_dma2 semaphore(%arg12 : memref<!tpu.dma_semaphore, #tpu.memory_space<semaphore_mem>>) src(%dma_wait3A_55 : memref<3136xf32, #tpu.memory_space<hbm>>) dst(%arg7 : memref<3136xf32, #tpu.memory_space<vmem>>)
      %dma_wait3A_56 = tpu.memref_slice %arg3[%mul3A_2] : memref<100000xf32, #tpu.memory_space<hbm>> -> memref<3136xf32, #tpu.memory_space<hbm>>
      %dma_wait3A_57 = tpu.memref_slice %arg3[%mul3A_2] : memref<100000xf32, #tpu.memory_space<hbm>> -> memref<3136xf32, #tpu.memory_space<hbm>>
      tpu.wait_dma2 semaphore(%arg12 : memref<!tpu.dma_semaphore, #tpu.memory_space<semaphore_mem>>) src(%dma_wait3A_57 : memref<3136xf32, #tpu.memory_space<hbm>>) dst(%arg8 : memref<3136xf32, #tpu.memory_space<vmem>>)
      %dma_wait3A_58 = tpu.memref_slice %arg4[%mul3A_2] : memref<100000xf32, #tpu.memory_space<hbm>> -> memref<3136xf32, #tpu.memory_space<hbm>>
      %dma_wait3A_59 = tpu.memref_slice %arg4[%mul3A_2] : memref<100000xf32, #tpu.memory_space<hbm>> -> memref<3136xf32, #tpu.memory_space<hbm>>
      tpu.wait_dma2 semaphore(%arg12 : memref<!tpu.dma_semaphore, #tpu.memory_space<semaphore_mem>>) src(%dma_wait3A_59 : memref<3136xf32, #tpu.memory_space<hbm>>) dst(%arg9 : memref<3136xf32, #tpu.memory_space<vmem>>)
    } else {
    }
    %eq3A = arith.constant 31 : i32
    %eq3A_5 = arith.cmpi eq, %add3A, %eq3A : i32
    %convert_element_type3A_6 = arith.extui %eq3A_5 : i1 to i32
    %cond3A_7 = arith.constant 0 : i32
    %cond3A_8 = arith.cmpi ne, %convert_element_type3A_6, %cond3A_7 : i32
    scf.if %cond3A_8 {
      %dma_start3A = arith.constant 0 : i32
      %dma_start3A_50 = tpu.memref_slice %arg7[%dma_start3A] : memref<3136xf32, #tpu.memory_space<vmem>> -> memref<2784xf32, #tpu.memory_space<vmem>>
      %dma_start3A_51 = tpu.memref_slice %arg2[%mul3A_2] : memref<100000xf32, #tpu.memory_space<hbm>> -> memref<2784xf32, #tpu.memory_space<hbm>>
      %dma_start3A_52 = arith.constant 0 : i32
      %dma_start3A_53 = tpu.memref_slice %arg7[%dma_start3A_52] : memref<3136xf32, #tpu.memory_space<vmem>> -> memref<2784xf32, #tpu.memory_space<vmem>>
      %dma_start3A_54 = tpu.memref_slice %arg2[%mul3A_2] : memref<100000xf32, #tpu.memory_space<hbm>> -> memref<2784xf32, #tpu.memory_space<hbm>>
      tpu.enqueue_dma source(%dma_start3A_54 : memref<2784xf32, #tpu.memory_space<hbm>>) target(%dma_start3A_53 : memref<2784xf32, #tpu.memory_space<vmem>>) target_semaphore(%arg12 : memref<!tpu.dma_semaphore, #tpu.memory_space<semaphore_mem>>)
      %dma_start3A_55 = arith.constant 0 : i32
      %dma_start3A_56 = tpu.memref_slice %arg8[%dma_start3A_55] : memref<3136xf32, #tpu.memory_space<vmem>> -> memref<2784xf32, #tpu.memory_space<vmem>>
      %dma_start3A_57 = tpu.memref_slice %arg3[%mul3A_2] : memref<100000xf32, #tpu.memory_space<hbm>> -> memref<2784xf32, #tpu.memory_space<hbm>>
      %dma_start3A_58 = arith.constant 0 : i32
      %dma_start3A_59 = tpu.memref_slice %arg8[%dma_start3A_58] : memref<3136xf32, #tpu.memory_space<vmem>> -> memref<2784xf32, #tpu.memory_space<vmem>>
      %dma_start3A_60 = tpu.memref_slice %arg3[%mul3A_2] : memref<100000xf32, #tpu.memory_space<hbm>> -> memref<2784xf32, #tpu.memory_space<hbm>>
      tpu.enqueue_dma source(%dma_start3A_60 : memref<2784xf32, #tpu.memory_space<hbm>>) target(%dma_start3A_59 : memref<2784xf32, #tpu.memory_space<vmem>>) target_semaphore(%arg12 : memref<!tpu.dma_semaphore, #tpu.memory_space<semaphore_mem>>)
      %dma_start3A_61 = arith.constant 0 : i32
      %dma_start3A_62 = tpu.memref_slice %arg9[%dma_start3A_61] : memref<3136xf32, #tpu.memory_space<vmem>> -> memref<2784xf32, #tpu.memory_space<vmem>>
      %dma_start3A_63 = tpu.memref_slice %arg4[%mul3A_2] : memref<100000xf32, #tpu.memory_space<hbm>> -> memref<2784xf32, #tpu.memory_space<hbm>>
      %dma_start3A_64 = arith.constant 0 : i32
      %dma_start3A_65 = tpu.memref_slice %arg9[%dma_start3A_64] : memref<3136xf32, #tpu.memory_space<vmem>> -> memref<2784xf32, #tpu.memory_space<vmem>>
      %dma_start3A_66 = tpu.memref_slice %arg4[%mul3A_2] : memref<100000xf32, #tpu.memory_space<hbm>> -> memref<2784xf32, #tpu.memory_space<hbm>>
      tpu.enqueue_dma source(%dma_start3A_66 : memref<2784xf32, #tpu.memory_space<hbm>>) target(%dma_start3A_65 : memref<2784xf32, #tpu.memory_space<vmem>>) target_semaphore(%arg12 : memref<!tpu.dma_semaphore, #tpu.memory_space<semaphore_mem>>)
      %dma_wait3A = arith.constant 0 : i32
      %dma_wait3A_67 = tpu.memref_slice %arg7[%dma_wait3A] : memref<3136xf32, #tpu.memory_space<vmem>> -> memref<2784xf32, #tpu.memory_space<vmem>>
      %dma_wait3A_68 = tpu.memref_slice %arg2[%mul3A_2] : memref<100000xf32, #tpu.memory_space<hbm>> -> memref<2784xf32, #tpu.memory_space<hbm>>
      %dma_wait3A_69 = arith.constant 0 : i32
      %dma_wait3A_70 = tpu.memref_slice %arg7[%dma_wait3A_69] : memref<3136xf32, #tpu.memory_space<vmem>> -> memref<2784xf32, #tpu.memory_space<vmem>>
      %dma_wait3A_71 = tpu.memref_slice %arg2[%mul3A_2] : memref<100000xf32, #tpu.memory_space<hbm>> -> memref<2784xf32, #tpu.memory_space<hbm>>
      tpu.wait_dma2 semaphore(%arg12 : memref<!tpu.dma_semaphore, #tpu.memory_space<semaphore_mem>>) src(%dma_wait3A_71 : memref<2784xf32, #tpu.memory_space<hbm>>) dst(%dma_wait3A_70 : memref<2784xf32, #tpu.memory_space<vmem>>)
      %dma_wait3A_72 = arith.constant 0 : i32
      %dma_wait3A_73 = tpu.memref_slice %arg8[%dma_wait3A_72] : memref<3136xf32, #tpu.memory_space<vmem>> -> memref<2784xf32, #tpu.memory_space<vmem>>
      %dma_wait3A_74 = tpu.memref_slice %arg3[%mul3A_2] : memref<100000xf32, #tpu.memory_space<hbm>> -> memref<2784xf32, #tpu.memory_space<hbm>>
      %dma_wait3A_75 = arith.constant 0 : i32
      %dma_wait3A_76 = tpu.memref_slice %arg8[%dma_wait3A_75] : memref<3136xf32, #tpu.memory_space<vmem>> -> memref<2784xf32, #tpu.memory_space<vmem>>
      %dma_wait3A_77 = tpu.memref_slice %arg3[%mul3A_2] : memref<100000xf32, #tpu.memory_space<hbm>> -> memref<2784xf32, #tpu.memory_space<hbm>>
      tpu.wait_dma2 semaphore(%arg12 : memref<!tpu.dma_semaphore, #tpu.memory_space<semaphore_mem>>) src(%dma_wait3A_77 : memref<2784xf32, #tpu.memory_space<hbm>>) dst(%dma_wait3A_76 : memref<2784xf32, #tpu.memory_space<vmem>>)
      %dma_wait3A_78 = arith.constant 0 : i32
      %dma_wait3A_79 = tpu.memref_slice %arg9[%dma_wait3A_78] : memref<3136xf32, #tpu.memory_space<vmem>> -> memref<2784xf32, #tpu.memory_space<vmem>>
      %dma_wait3A_80 = tpu.memref_slice %arg4[%mul3A_2] : memref<100000xf32, #tpu.memory_space<hbm>> -> memref<2784xf32, #tpu.memory_space<hbm>>
      %dma_wait3A_81 = arith.constant 0 : i32
      %dma_wait3A_82 = tpu.memref_slice %arg9[%dma_wait3A_81] : memref<3136xf32, #tpu.memory_space<vmem>> -> memref<2784xf32, #tpu.memory_space<vmem>>
      %dma_wait3A_83 = tpu.memref_slice %arg4[%mul3A_2] : memref<100000xf32, #tpu.memory_space<hbm>> -> memref<2784xf32, #tpu.memory_space<hbm>>
      tpu.wait_dma2 semaphore(%arg12 : memref<!tpu.dma_semaphore, #tpu.memory_space<semaphore_mem>>) src(%dma_wait3A_83 : memref<2784xf32, #tpu.memory_space<hbm>>) dst(%dma_wait3A_82 : memref<2784xf32, #tpu.memory_space<vmem>>)
    } else {
    }
    "tpu.region"() ({
      %run_scoped3A = tpu.sem_alloc : memref<!tpu.dma_semaphore, #tpu.memory_space<semaphore_mem>>
      tpu.enqueue_dma source(%arg5 : memref<48xf32, #tpu.memory_space<hbm>>) target(%arg10 : memref<48xf32, #tpu.memory_space<vmem>>) target_semaphore(%run_scoped3A : memref<!tpu.dma_semaphore, #tpu.memory_space<semaphore_mem>>)
      tpu.wait_dma2 semaphore(%run_scoped3A : memref<!tpu.dma_semaphore, #tpu.memory_space<semaphore_mem>>) src(%arg5 : memref<48xf32, #tpu.memory_space<hbm>>) dst(%arg10 : memref<48xf32, #tpu.memory_space<vmem>>)
      tpu.yield
    }) : () -> ()
    %get3A = arith.constant 0 : index
    %get3A_9 = tpu.vector_load %arg10[%get3A] {strides = array<i32>} : memref<48xf32, #tpu.memory_space<vmem>>, vector<16xf32>,
    %get3A_10 = arith.constant 16 : index
    %get3A_11 = tpu.vector_load %arg10[%get3A_10] {strides = array<i32>} : memref<48xf32, #tpu.memory_space<vmem>>, vector<16xf32>,
    %get3A_12 = arith.constant 32 : index
    %get3A_13 = tpu.vector_load %arg10[%get3A_12] {strides = array<i32>} : memref<48xf32, #tpu.memory_space<vmem>>, vector<16xf32>,
    %iota3A = tpu.iota {dimensions = array<i32: 0>} : vector<16xi32>
    %add3A_14 = vector.broadcast %mul3A_2 : i32 to vector<16xi32>
    %add3A_15 = arith.addi %add3A_14, %iota3A : vector<16xi32>
    %broadcast_in_dim3A = arith.constant 1.000000e+30 : f32
    %broadcast_in_dim3A_16 = vector.broadcast %broadcast_in_dim3A : f32 to vector<16xf32>
    %broadcast_in_dim3A_17 = arith.constant 0 : i32
    %broadcast_in_dim3A_18 = vector.broadcast %broadcast_in_dim3A_17 : i32 to vector<16xi32>
    %scan3A = arith.constant 0 : i32
    %scan3A_19 = arith.constant 196 : i32
    %scan3A_20 = arith.addi %scan3A, %scan3A_19 : i32
    %scan3A_21 = arith.constant 1 : i32
    %scan3A_22:2 = scf.for %scan3A_50 = %scan3A to %scan3A_20 step %scan3A_21 iter_args(%scan3A_51 = %broadcast_in_dim3A_16, %scan3A_52 = %broadcast_in_dim3A_18) -> (vector<16xf32>, vector<16xi32>)  : i32 {
      %mul3A_53 = arith.constant 16 : i32
      %mul3A_54 = arith.muli %scan3A_50, %mul3A_53 : i32
      %get3A_55 = arith.index_cast %mul3A_54 : i32 to index
      %get3A_56 = tpu.vector_load %arg7[%get3A_55] {strides = array<i32>} : memref<3136xf32, #tpu.memory_space<vmem>>, vector<16xf32>,
      %sub3A = arith.subf %get3A_56, %get3A_9 : vector<16xf32>
      %get3A_57 = arith.index_cast %mul3A_54 : i32 to index
      %get3A_58 = tpu.vector_load %arg8[%get3A_57] {strides = array<i32>} : memref<3136xf32, #tpu.memory_space<vmem>>, vector<16xf32>,
      %sub3A_59 = arith.subf %get3A_58, %get3A_11 : vector<16xf32>
      %get3A_60 = arith.index_cast %mul3A_54 : i32 to index
      %get3A_61 = tpu.vector_load %arg9[%get3A_60] {strides = array<i32>} : memref<3136xf32, #tpu.memory_space<vmem>>, vector<16xf32>,
      %sub3A_62 = arith.subf %get3A_61, %get3A_13 : vector<16xf32>
      %mul3A_63 = arith.mulf %sub3A, %sub3A : vector<16xf32>
      %mul3A_64 = arith.mulf %sub3A_59, %sub3A_59 : vector<16xf32>
      %add3A_65 = arith.addf %mul3A_63, %mul3A_64 : vector<16xf32>
      %mul3A_66 = arith.mulf %sub3A_62, %sub3A_62 : vector<16xf32>
      %add3A_67 = arith.addf %add3A_65, %mul3A_66 : vector<16xf32>
      %add3A_68 = vector.broadcast %mul3A_54 : i32 to vector<16xi32>
      %add3A_69 = arith.addi %add3A_15, %add3A_68 : vector<16xi32>
      %lt3A_70 = arith.constant 100000 : i32
      %lt3A_71 = vector.broadcast %lt3A_70 : i32 to vector<16xi32>
      %lt3A_72 = arith.cmpi slt, %add3A_69, %lt3A_71 : vector<16xi32>
      %jit3A = arith.constant 1.000000e+30 : f32
      %broadcast_in_dim3A_73 = vector.broadcast %jit3A : f32 to vector<16xf32>
      %select_n3A = arith.select %lt3A_72, %add3A_67, %broadcast_in_dim3A_73 : vector<16xi1>, vector<16xf32>
      %add3A_74 = vector.broadcast %mul3A_54 : i32 to vector<16xi32>
      %add3A_75 = arith.addi %iota3A, %add3A_74 : vector<16xi32>
      %masked_sort3A = arith.constant dense<true> : vector<16xi1>
      %masked_sort3A_76, %masked_sort3A_77, %masked_sort3A_78 = tpu.sort %select_n3A, %add3A_75 masked %masked_sort3A : (vector<16xf32>, vector<16xi32>, vector<16xi1>) -> (vector<16xi1>, vector<16xf32>, vector<16xi32>)
      %rev3A = arith.constant 15 : i32
      %rev3A_79 = vector.broadcast %rev3A : i32 to vector<16xi32>
      %rev3A_80 = tpu.iota {dimensions = array<i32: 0>} : vector<16xi32>
      %rev3A_81 = arith.subi %rev3A_79, %rev3A_80 : vector<16xi32>
      %rev3A_82 = tpu.dynamic_gather %masked_sort3A_77[%rev3A_81] in [0] : vector<16xf32>, vector<16xi32> -> vector<16xf32>
      %rev3A_83 = arith.constant 15 : i32
      %rev3A_84 = vector.broadcast %rev3A_83 : i32 to vector<16xi32>
      %rev3A_85 = tpu.iota {dimensions = array<i32: 0>} : vector<16xi32>
      %rev3A_86 = arith.subi %rev3A_84, %rev3A_85 : vector<16xi32>
      %rev3A_87 = tpu.dynamic_gather %masked_sort3A_78[%rev3A_86] in [0] : vector<16xi32>, vector<16xi32> -> vector<16xi32>
      %le3A = arith.cmpf ole, %scan3A_51, %rev3A_82 : vector<16xf32>
      %select_n3A_88 = arith.select %le3A, %scan3A_51, %rev3A_82 : vector<16xi1>, vector<16xf32>
      %select_n3A_89 = arith.select %le3A, %scan3A_52, %rev3A_87 : vector<16xi1>, vector<16xi32>
      %masked_sort3A_90 = arith.constant dense<true> : vector<16xi1>
      %masked_sort3A_91, %masked_sort3A_92, %masked_sort3A_93 = tpu.sort %select_n3A_88, %select_n3A_89 masked %masked_sort3A_90 : (vector<16xf32>, vector<16xi32>, vector<16xi1>) -> (vector<16xi1>, vector<16xf32>, vector<16xi32>)
      scf.yield %masked_sort3A_92, %masked_sort3A_93 : vector<16xf32>, vector<16xi32>
    }
    %scan3A_23 = arith.constant 196 : i32
    %gather3A = tpu.vector_load_idx %arg7[%scan3A_22#1] : memref<3136xf32, #tpu.memory_space<vmem>>[vector<16xi32>], vector<16xf32>,
    %gather3A_24 = tpu.vector_load_idx %arg8[%scan3A_22#1] : memref<3136xf32, #tpu.memory_space<vmem>>[vector<16xi32>], vector<16xf32>,
    %gather3A_25 = tpu.vector_load_idx %arg9[%scan3A_22#1] : memref<3136xf32, #tpu.memory_space<vmem>>[vector<16xi32>], vector<16xf32>,
    %mul3A_26 = arith.constant 16 : i32
    %mul3A_27 = arith.muli %add3A, %mul3A_26 : i32
    %swap3A = arith.constant 0 : index
    %swap3A_28 = tpu.vector_load %arg11[%swap3A] {strides = array<i32>} : memref<16xf32, #tpu.memory_space<vmem>>, vector<16xf32>,
    tpu.vector_store %arg11[%swap3A], %scan3A_22#0 {strides = array<i32>} : memref<16xf32, #tpu.memory_space<vmem>>, vector<16xf32>,
    %add3A_29 = arith.constant 0 : i32
    %add3A_30 = arith.addi %add3A_29, %mul3A_27 : i32
    "tpu.region"() ({
      %run_scoped3A = tpu.sem_alloc : memref<!tpu.dma_semaphore, #tpu.memory_space<semaphore_mem>>
      %dma_start3A = tpu.memref_slice %arg6[%add3A_30] : memref<2560xf32, #tpu.memory_space<hbm>> -> memref<16xf32, #tpu.memory_space<hbm>>
      %dma_start3A_50 = tpu.memref_slice %arg6[%add3A_30] : memref<2560xf32, #tpu.memory_space<hbm>> -> memref<16xf32, #tpu.memory_space<hbm>>
      tpu.enqueue_dma source(%arg11 : memref<16xf32, #tpu.memory_space<vmem>>) target(%dma_start3A_50 : memref<16xf32, #tpu.memory_space<hbm>>) target_semaphore(%run_scoped3A : memref<!tpu.dma_semaphore, #tpu.memory_space<semaphore_mem>>)
      %dma_wait3A = tpu.memref_slice %arg6[%add3A_30] : memref<2560xf32, #tpu.memory_space<hbm>> -> memref<16xf32, #tpu.memory_space<hbm>>
      %dma_wait3A_51 = tpu.memref_slice %arg6[%add3A_30] : memref<2560xf32, #tpu.memory_space<hbm>> -> memref<16xf32, #tpu.memory_space<hbm>>
      tpu.wait_dma2 semaphore(%run_scoped3A : memref<!tpu.dma_semaphore, #tpu.memory_space<semaphore_mem>>) src(%arg11 : memref<16xf32, #tpu.memory_space<vmem>>) dst(%dma_wait3A_51 : memref<16xf32, #tpu.memory_space<hbm>>)
      tpu.yield
    }) : () -> ()
    %add3A_31 = vector.broadcast %mul3A_2 : i32 to vector<16xi32>
    %add3A_32 = arith.addi %scan3A_22#1, %add3A_31 : vector<16xi32>
    %convert_element_type3A_33 = arith.sitofp %add3A_32 : vector<16xi32> to vector<16xf32>
    %swap3A_34 = arith.constant 0 : index
    %swap3A_35 = tpu.vector_load %arg11[%swap3A_34] {strides = array<i32>} : memref<16xf32, #tpu.memory_space<vmem>>, vector<16xf32>,
    tpu.vector_store %arg11[%swap3A_34], %convert_element_type3A_33 {strides = array<i32>} : memref<16xf32, #tpu.memory_space<vmem>>, vector<16xf32>,
    %add3A_36 = arith.constant 512 : i32
    %add3A_37 = arith.addi %add3A_36, %mul3A_27 : i32
    "tpu.region"() ({
      %run_scoped3A = tpu.sem_alloc : memref<!tpu.dma_semaphore, #tpu.memory_space<semaphore_mem>>
      %dma_start3A = tpu.memref_slice %arg6[%add3A_37] : memref<2560xf32, #tpu.memory_space<hbm>> -> memref<16xf32, #tpu.memory_space<hbm>>
      %dma_start3A_50 = tpu.memref_slice %arg6[%add3A_37] : memref<2560xf32, #tpu.memory_space<hbm>> -> memref<16xf32, #tpu.memory_space<hbm>>
      tpu.enqueue_dma source(%arg11 : memref<16xf32, #tpu.memory_space<vmem>>) target(%dma_start3A_50 : memref<16xf32, #tpu.memory_space<hbm>>) target_semaphore(%run_scoped3A : memref<!tpu.dma_semaphore, #tpu.memory_space<semaphore_mem>>)
      %dma_wait3A = tpu.memref_slice %arg6[%add3A_37] : memref<2560xf32, #tpu.memory_space<hbm>> -> memref<16xf32, #tpu.memory_space<hbm>>
      %dma_wait3A_51 = tpu.memref_slice %arg6[%add3A_37] : memref<2560xf32, #tpu.memory_space<hbm>> -> memref<16xf32, #tpu.memory_space<hbm>>
      tpu.wait_dma2 semaphore(%run_scoped3A : memref<!tpu.dma_semaphore, #tpu.memory_space<semaphore_mem>>) src(%arg11 : memref<16xf32, #tpu.memory_space<vmem>>) dst(%dma_wait3A_51 : memref<16xf32, #tpu.memory_space<hbm>>)
      tpu.yield
    }) : () -> ()
    %swap3A_38 = arith.constant 0 : index
    %swap3A_39 = tpu.vector_load %arg11[%swap3A_38] {strides = array<i32>} : memref<16xf32, #tpu.memory_space<vmem>>, vector<16xf32>,
    tpu.vector_store %arg11[%swap3A_38], %gather3A {strides = array<i32>} : memref<16xf32, #tpu.memory_space<vmem>>, vector<16xf32>,
    %add3A_40 = arith.constant 1024 : i32
    %add3A_41 = arith.addi %add3A_40, %mul3A_27 : i32
    "tpu.region"() ({
      %run_scoped3A = tpu.sem_alloc : memref<!tpu.dma_semaphore, #tpu.memory_space<semaphore_mem>>
      %dma_start3A = tpu.memref_slice %arg6[%add3A_41] : memref<2560xf32, #tpu.memory_space<hbm>> -> memref<16xf32, #tpu.memory_space<hbm>>
      %dma_start3A_50 = tpu.memref_slice %arg6[%add3A_41] : memref<2560xf32, #tpu.memory_space<hbm>> -> memref<16xf32, #tpu.memory_space<hbm>>
      tpu.enqueue_dma source(%arg11 : memref<16xf32, #tpu.memory_space<vmem>>) target(%dma_start3A_50 : memref<16xf32, #tpu.memory_space<hbm>>) target_semaphore(%run_scoped3A : memref<!tpu.dma_semaphore, #tpu.memory_space<semaphore_mem>>)
      %dma_wait3A = tpu.memref_slice %arg6[%add3A_41] : memref<2560xf32, #tpu.memory_space<hbm>> -> memref<16xf32, #tpu.memory_space<hbm>>
      %dma_wait3A_51 = tpu.memref_slice %arg6[%add3A_41] : memref<2560xf32, #tpu.memory_space<hbm>> -> memref<16xf32, #tpu.memory_space<hbm>>
      tpu.wait_dma2 semaphore(%run_scoped3A : memref<!tpu.dma_semaphore, #tpu.memory_space<semaphore_mem>>) src(%arg11 : memref<16xf32, #tpu.memory_space<vmem>>) dst(%dma_wait3A_51 : memref<16xf32, #tpu.memory_space<hbm>>)
      tpu.yield
    }) : () -> ()
    %swap3A_42 = arith.constant 0 : index
    %swap3A_43 = tpu.vector_load %arg11[%swap3A_42] {strides = array<i32>} : memref<16xf32, #tpu.memory_space<vmem>>, vector<16xf32>,
    tpu.vector_store %arg11[%swap3A_42], %gather3A_24 {strides = array<i32>} : memref<16xf32, #tpu.memory_space<vmem>>, vector<16xf32>,
    %add3A_44 = arith.constant 1536 : i32
    %add3A_45 = arith.addi %add3A_44, %mul3A_27 : i32
    "tpu.region"() ({
      %run_scoped3A = tpu.sem_alloc : memref<!tpu.dma_semaphore, #tpu.memory_space<semaphore_mem>>
      %dma_start3A = tpu.memref_slice %arg6[%add3A_45] : memref<2560xf32, #tpu.memory_space<hbm>> -> memref<16xf32, #tpu.memory_space<hbm>>
      %dma_start3A_50 = tpu.memref_slice %arg6[%add3A_45] : memref<2560xf32, #tpu.memory_space<hbm>> -> memref<16xf32, #tpu.memory_space<hbm>>
      tpu.enqueue_dma source(%arg11 : memref<16xf32, #tpu.memory_space<vmem>>) target(%dma_start3A_50 : memref<16xf32, #tpu.memory_space<hbm>>) target_semaphore(%run_scoped3A : memref<!tpu.dma_semaphore, #tpu.memory_space<semaphore_mem>>)
      %dma_wait3A = tpu.memref_slice %arg6[%add3A_45] : memref<2560xf32, #tpu.memory_space<hbm>> -> memref<16xf32, #tpu.memory_space<hbm>>
      %dma_wait3A_51 = tpu.memref_slice %arg6[%add3A_45] : memref<2560xf32, #tpu.memory_space<hbm>> -> memref<16xf32, #tpu.memory_space<hbm>>
      tpu.wait_dma2 semaphore(%run_scoped3A : memref<!tpu.dma_semaphore, #tpu.memory_space<semaphore_mem>>) src(%arg11 : memref<16xf32, #tpu.memory_space<vmem>>) dst(%dma_wait3A_51 : memref<16xf32, #tpu.memory_space<hbm>>)
      tpu.yield
    }) : () -> ()
    %swap3A_46 = arith.constant 0 : index
    %swap3A_47 = tpu.vector_load %arg11[%swap3A_46] {strides = array<i32>} : memref<16xf32, #tpu.memory_space<vmem>>, vector<16xf32>,
    tpu.vector_store %arg11[%swap3A_46], %gather3A_25 {strides = array<i32>} : memref<16xf32, #tpu.memory_space<vmem>>, vector<16xf32>,
    %add3A_48 = arith.constant 2048 : i32
    %add3A_49 = arith.addi %add3A_48, %mul3A_27 : i32
    "tpu.region"() ({
      %run_scoped3A = tpu.sem_alloc : memref<!tpu.dma_semaphore, #tpu.memory_space<semaphore_mem>>
      %dma_start3A = tpu.memref_slice %arg6[%add3A_49] : memref<2560xf32, #tpu.memory_space<hbm>> -> memref<16xf32, #tpu.memory_space<hbm>>
      %dma_start3A_50 = tpu.memref_slice %arg6[%add3A_49] : memref<2560xf32, #tpu.memory_space<hbm>> -> memref<16xf32, #tpu.memory_space<hbm>>
      tpu.enqueue_dma source(%arg11 : memref<16xf32, #tpu.memory_space<vmem>>) target(%dma_start3A_50 : memref<16xf32, #tpu.memory_space<hbm>>) target_semaphore(%run_scoped3A : memref<!tpu.dma_semaphore, #tpu.memory_space<semaphore_mem>>)
      %dma_wait3A = tpu.memref_slice %arg6[%add3A_49] : memref<2560xf32, #tpu.memory_space<hbm>> -> memref<16xf32, #tpu.memory_space<hbm>>
      %dma_wait3A_51 = tpu.memref_slice %arg6[%add3A_49] : memref<2560xf32, #tpu.memory_space<hbm>> -> memref<16xf32, #tpu.memory_space<hbm>>
      tpu.wait_dma2 semaphore(%run_scoped3A : memref<!tpu.dma_semaphore, #tpu.memory_space<semaphore_mem>>) src(%arg11 : memref<16xf32, #tpu.memory_space<vmem>>) dst(%dma_wait3A_51 : memref<16xf32, #tpu.memory_space<hbm>>)
      tpu.yield
    }) : () -> ()
    return
  }
}

module attributes {stable_mosaic.version = 14 : i64} {
  func.func @_tc_finish_body(%arg0: memref<20x128xf32, #tpu.memory_space<vmem>>, %arg1: memref<1x3xf32, #tpu.memory_space<vmem>>, %arg2: memref<16x3xf32, #tpu.memory_space<vmem>>, %arg3: memref<10x3xf32, #tpu.memory_space<vmem>>, %arg4: memref<1x3xf32, #tpu.memory_space<vmem>>, %arg5: memref<16x6xf32, #tpu.memory_space<vmem>>) attributes {dimension_semantics = [], scalar_prefetch = 0 : i64, scratch_operands = 0 : i64, tpu.core_type = #tpu.core_type<tc>} {
    %get3A = arith.constant 0 : index
    %get3A_0 = arith.constant 0 : index
    %get3A_1 = vector.load %arg0[%get3A, %get3A_0] : memref<20x128xf32, #tpu.memory_space<vmem>>, vector<4x128xf32>
    %sqrt3A = math.sqrt %get3A_1 : vector<4x128xf32>
    %get3A_2 = arith.constant 4 : index
    %get3A_3 = arith.constant 0 : index
    %get3A_4 = vector.load %arg0[%get3A_2, %get3A_3] : memref<20x128xf32, #tpu.memory_space<vmem>>, vector<4x128xf32>
    %get3A_5 = arith.constant 8 : index
    %get3A_6 = arith.constant 0 : index
    %get3A_7 = vector.load %arg0[%get3A_5, %get3A_6] : memref<20x128xf32, #tpu.memory_space<vmem>>, vector<4x128xf32>
    %get3A_8 = arith.constant 12 : index
    %get3A_9 = arith.constant 0 : index
    %get3A_10 = vector.load %arg0[%get3A_8, %get3A_9] : memref<20x128xf32, #tpu.memory_space<vmem>>, vector<4x128xf32>
    %get3A_11 = arith.constant 16 : index
    %get3A_12 = arith.constant 0 : index
    %get3A_13 = vector.load %arg0[%get3A_11, %get3A_12] : memref<20x128xf32, #tpu.memory_space<vmem>>, vector<4x128xf32>
    %iota3A = tpu.iota {dimensions = array<i32: 0>} : vector<16x1xi32>
    %broadcast_in_dim3A = arith.constant 0.000000e+00 : f32
    %broadcast_in_dim3A_14 = vector.broadcast %broadcast_in_dim3A : f32 to vector<16x1xf32>
    %broadcast_in_dim3A_15 = arith.constant 0.000000e+00 : f32
    %broadcast_in_dim3A_16 = vector.broadcast %broadcast_in_dim3A_15 : f32 to vector<16x1xf32>
    %broadcast_in_dim3A_17 = arith.constant 0.000000e+00 : f32
    %broadcast_in_dim3A_18 = vector.broadcast %broadcast_in_dim3A_17 : f32 to vector<16x1xf32>
    %reduce_min3A = vector.shape_cast %sqrt3A : vector<4x128xf32> to vector<1x4x128xf32>
    %reduce_min3A_19 = arith.constant dense<0x7F800000> : vector<1xf32>
    %reduce_min3A_20 = vector.multi_reduction <minimumf>, %reduce_min3A, %reduce_min3A_19 [1, 2] : vector<1x4x128xf32> to vector<1xf32>
    %reduce_min3A_21 = vector.shape_cast %reduce_min3A_20 : vector<1xf32> to vector<1x1x1xf32>
    %reduce_min3A_22 = vector.extract %reduce_min3A_21[0, 0, 0] : f32 from vector<1x1x1xf32>
    %eq3A = vector.broadcast %reduce_min3A_22 : f32 to vector<4x128xf32>
    %eq3A_23 = arith.cmpf oeq, %sqrt3A, %eq3A : vector<4x128xf32>
    %jit3A = arith.constant 3.000000e+38 : f32
    %broadcast_in_dim3A_24 = vector.broadcast %jit3A : f32 to vector<4x128xf32>
    %select_n3A = arith.select %eq3A_23, %get3A_4, %broadcast_in_dim3A_24 : vector<4x128xi1>, vector<4x128xf32>
    %reduce_min3A_25 = vector.shape_cast %select_n3A : vector<4x128xf32> to vector<1x4x128xf32>
    %reduce_min3A_26 = arith.constant dense<0x7F800000> : vector<1xf32>
    %reduce_min3A_27 = vector.multi_reduction <minimumf>, %reduce_min3A_25, %reduce_min3A_26 [1, 2] : vector<1x4x128xf32> to vector<1xf32>
    %reduce_min3A_28 = vector.shape_cast %reduce_min3A_27 : vector<1xf32> to vector<1x1x1xf32>
    %reduce_min3A_29 = vector.extract %reduce_min3A_28[0, 0, 0] : f32 from vector<1x1x1xf32>
    %eq3A_30 = vector.broadcast %reduce_min3A_29 : f32 to vector<4x128xf32>
    %eq3A_31 = arith.cmpf oeq, %get3A_4, %eq3A_30 : vector<4x128xf32>
    %eq3A_32 = arith.constant 0 : i32
    %eq3A_33 = vector.broadcast %eq3A_32 : i32 to vector<16x1xi32>
    %eq3A_34 = arith.cmpi eq, %iota3A, %eq3A_33 : vector<16x1xi32>
    %jit3A_35 = arith.constant 0.000000e+00 : f32
    %broadcast_in_dim3A_36 = vector.broadcast %jit3A_35 : f32 to vector<4x128xf32>
    %select_n3A_37 = arith.select %eq3A_31, %get3A_7, %broadcast_in_dim3A_36 : vector<4x128xi1>, vector<4x128xf32>
    %reduce_sum3A = vector.shape_cast %select_n3A_37 : vector<4x128xf32> to vector<1x4x128xf32>
    %reduce_sum3A_38 = arith.constant dense<0.000000e+00> : vector<1xf32>
    %reduce_sum3A_39 = vector.multi_reduction <add>, %reduce_sum3A, %reduce_sum3A_38 [1, 2] : vector<1x4x128xf32> to vector<1xf32>
    %reduce_sum3A_40 = vector.shape_cast %reduce_sum3A_39 : vector<1xf32> to vector<1x1x1xf32>
    %reduce_sum3A_41 = vector.extract %reduce_sum3A_40[0, 0, 0] : f32 from vector<1x1x1xf32>
    %jit3A_42 = arith.constant 0.000000e+00 : f32
    %broadcast_in_dim3A_43 = vector.broadcast %reduce_sum3A_41 : f32 to vector<16x1xf32>
    %broadcast_in_dim3A_44 = vector.broadcast %jit3A_42 : f32 to vector<16x1xf32>
    %select_n3A_45 = arith.select %eq3A_34, %broadcast_in_dim3A_43, %broadcast_in_dim3A_44 : vector<16x1xi1>, vector<16x1xf32>
    %add3A = arith.addf %broadcast_in_dim3A_14, %select_n3A_45 : vector<16x1xf32>
    %jit3A_46 = arith.constant 0.000000e+00 : f32
    %broadcast_in_dim3A_47 = vector.broadcast %jit3A_46 : f32 to vector<4x128xf32>
    %select_n3A_48 = arith.select %eq3A_31, %get3A_10, %broadcast_in_dim3A_47 : vector<4x128xi1>, vector<4x128xf32>
    %reduce_sum3A_49 = vector.shape_cast %select_n3A_48 : vector<4x128xf32> to vector<1x4x128xf32>
    %reduce_sum3A_50 = arith.constant dense<0.000000e+00> : vector<1xf32>
    %reduce_sum3A_51 = vector.multi_reduction <add>, %reduce_sum3A_49, %reduce_sum3A_50 [1, 2] : vector<1x4x128xf32> to vector<1xf32>
    %reduce_sum3A_52 = vector.shape_cast %reduce_sum3A_51 : vector<1xf32> to vector<1x1x1xf32>
    %reduce_sum3A_53 = vector.extract %reduce_sum3A_52[0, 0, 0] : f32 from vector<1x1x1xf32>
    %jit3A_54 = arith.constant 0.000000e+00 : f32
    %broadcast_in_dim3A_55 = vector.broadcast %reduce_sum3A_53 : f32 to vector<16x1xf32>
    %broadcast_in_dim3A_56 = vector.broadcast %jit3A_54 : f32 to vector<16x1xf32>
    %select_n3A_57 = arith.select %eq3A_34, %broadcast_in_dim3A_55, %broadcast_in_dim3A_56 : vector<16x1xi1>, vector<16x1xf32>
    %add3A_58 = arith.addf %broadcast_in_dim3A_16, %select_n3A_57 : vector<16x1xf32>
    %jit3A_59 = arith.constant 0.000000e+00 : f32
    %broadcast_in_dim3A_60 = vector.broadcast %jit3A_59 : f32 to vector<4x128xf32>
    %select_n3A_61 = arith.select %eq3A_31, %get3A_13, %broadcast_in_dim3A_60 : vector<4x128xi1>, vector<4x128xf32>
    %reduce_sum3A_62 = vector.shape_cast %select_n3A_61 : vector<4x128xf32> to vector<1x4x128xf32>
    %reduce_sum3A_63 = arith.constant dense<0.000000e+00> : vector<1xf32>
    %reduce_sum3A_64 = vector.multi_reduction <add>, %reduce_sum3A_62, %reduce_sum3A_63 [1, 2] : vector<1x4x128xf32> to vector<1xf32>
    %reduce_sum3A_65 = vector.shape_cast %reduce_sum3A_64 : vector<1xf32> to vector<1x1x1xf32>
    %reduce_sum3A_66 = vector.extract %reduce_sum3A_65[0, 0, 0] : f32 from vector<1x1x1xf32>
    %jit3A_67 = arith.constant 0.000000e+00 : f32
    %broadcast_in_dim3A_68 = vector.broadcast %reduce_sum3A_66 : f32 to vector<16x1xf32>
    %broadcast_in_dim3A_69 = vector.broadcast %jit3A_67 : f32 to vector<16x1xf32>
    %select_n3A_70 = arith.select %eq3A_34, %broadcast_in_dim3A_68, %broadcast_in_dim3A_69 : vector<16x1xi1>, vector<16x1xf32>
    %add3A_71 = arith.addf %broadcast_in_dim3A_18, %select_n3A_70 : vector<16x1xf32>
    %jit3A_72 = arith.constant 3.000000e+38 : f32
    %broadcast_in_dim3A_73 = vector.broadcast %jit3A_72 : f32 to vector<4x128xf32>
    %select_n3A_74 = arith.select %eq3A_31, %broadcast_in_dim3A_73, %sqrt3A : vector<4x128xi1>, vector<4x128xf32>
    %reduce_min3A_75 = vector.shape_cast %select_n3A_74 : vector<4x128xf32> to vector<1x4x128xf32>
    %reduce_min3A_76 = arith.constant dense<0x7F800000> : vector<1xf32>
    %reduce_min3A_77 = vector.multi_reduction <minimumf>, %reduce_min3A_75, %reduce_min3A_76 [1, 2] : vector<1x4x128xf32> to vector<1xf32>
    %reduce_min3A_78 = vector.shape_cast %reduce_min3A_77 : vector<1xf32> to vector<1x1x1xf32>
    %reduce_min3A_79 = vector.extract %reduce_min3A_78[0, 0, 0] : f32 from vector<1x1x1xf32>
    %eq3A_80 = vector.broadcast %reduce_min3A_79 : f32 to vector<4x128xf32>
    %eq3A_81 = arith.cmpf oeq, %select_n3A_74, %eq3A_80 : vector<4x128xf32>
    %jit3A_82 = arith.constant 3.000000e+38 : f32
    %broadcast_in_dim3A_83 = vector.broadcast %jit3A_82 : f32 to vector<4x128xf32>
    %select_n3A_84 = arith.select %eq3A_81, %get3A_4, %broadcast_in_dim3A_83 : vector<4x128xi1>, vector<4x128xf32>
    %reduce_min3A_85 = vector.shape_cast %select_n3A_84 : vector<4x128xf32> to vector<1x4x128xf32>
    %reduce_min3A_86 = arith.constant dense<0x7F800000> : vector<1xf32>
    %reduce_min3A_87 = vector.multi_reduction <minimumf>, %reduce_min3A_85, %reduce_min3A_86 [1, 2] : vector<1x4x128xf32> to vector<1xf32>
    %reduce_min3A_88 = vector.shape_cast %reduce_min3A_87 : vector<1xf32> to vector<1x1x1xf32>
    %reduce_min3A_89 = vector.extract %reduce_min3A_88[0, 0, 0] : f32 from vector<1x1x1xf32>
    %eq3A_90 = vector.broadcast %reduce_min3A_89 : f32 to vector<4x128xf32>
    %eq3A_91 = arith.cmpf oeq, %get3A_4, %eq3A_90 : vector<4x128xf32>
    %eq3A_92 = arith.constant 1 : i32
    %eq3A_93 = vector.broadcast %eq3A_92 : i32 to vector<16x1xi32>
    %eq3A_94 = arith.cmpi eq, %iota3A, %eq3A_93 : vector<16x1xi32>
    %jit3A_95 = arith.constant 0.000000e+00 : f32
    %broadcast_in_dim3A_96 = vector.broadcast %jit3A_95 : f32 to vector<4x128xf32>
    %select_n3A_97 = arith.select %eq3A_91, %get3A_7, %broadcast_in_dim3A_96 : vector<4x128xi1>, vector<4x128xf32>
    %reduce_sum3A_98 = vector.shape_cast %select_n3A_97 : vector<4x128xf32> to vector<1x4x128xf32>
    %reduce_sum3A_99 = arith.constant dense<0.000000e+00> : vector<1xf32>
    %reduce_sum3A_100 = vector.multi_reduction <add>, %reduce_sum3A_98, %reduce_sum3A_99 [1, 2] : vector<1x4x128xf32> to vector<1xf32>
    %reduce_sum3A_101 = vector.shape_cast %reduce_sum3A_100 : vector<1xf32> to vector<1x1x1xf32>
    %reduce_sum3A_102 = vector.extract %reduce_sum3A_101[0, 0, 0] : f32 from vector<1x1x1xf32>
    %jit3A_103 = arith.constant 0.000000e+00 : f32
    %broadcast_in_dim3A_104 = vector.broadcast %reduce_sum3A_102 : f32 to vector<16x1xf32>
    %broadcast_in_dim3A_105 = vector.broadcast %jit3A_103 : f32 to vector<16x1xf32>
    %select_n3A_106 = arith.select %eq3A_94, %broadcast_in_dim3A_104, %broadcast_in_dim3A_105 : vector<16x1xi1>, vector<16x1xf32>
    %add3A_107 = arith.addf %add3A, %select_n3A_106 : vector<16x1xf32>
    %jit3A_108 = arith.constant 0.000000e+00 : f32
    %broadcast_in_dim3A_109 = vector.broadcast %jit3A_108 : f32 to vector<4x128xf32>
    %select_n3A_110 = arith.select %eq3A_91, %get3A_10, %broadcast_in_dim3A_109 : vector<4x128xi1>, vector<4x128xf32>
    %reduce_sum3A_111 = vector.shape_cast %select_n3A_110 : vector<4x128xf32> to vector<1x4x128xf32>
    %reduce_sum3A_112 = arith.constant dense<0.000000e+00> : vector<1xf32>
    %reduce_sum3A_113 = vector.multi_reduction <add>, %reduce_sum3A_111, %reduce_sum3A_112 [1, 2] : vector<1x4x128xf32> to vector<1xf32>
    %reduce_sum3A_114 = vector.shape_cast %reduce_sum3A_113 : vector<1xf32> to vector<1x1x1xf32>
    %reduce_sum3A_115 = vector.extract %reduce_sum3A_114[0, 0, 0] : f32 from vector<1x1x1xf32>
    %jit3A_116 = arith.constant 0.000000e+00 : f32
    %broadcast_in_dim3A_117 = vector.broadcast %reduce_sum3A_115 : f32 to vector<16x1xf32>
    %broadcast_in_dim3A_118 = vector.broadcast %jit3A_116 : f32 to vector<16x1xf32>
    %select_n3A_119 = arith.select %eq3A_94, %broadcast_in_dim3A_117, %broadcast_in_dim3A_118 : vector<16x1xi1>, vector<16x1xf32>
    %add3A_120 = arith.addf %add3A_58, %select_n3A_119 : vector<16x1xf32>
    %jit3A_121 = arith.constant 0.000000e+00 : f32
    %broadcast_in_dim3A_122 = vector.broadcast %jit3A_121 : f32 to vector<4x128xf32>
    %select_n3A_123 = arith.select %eq3A_91, %get3A_13, %broadcast_in_dim3A_122 : vector<4x128xi1>, vector<4x128xf32>
    %reduce_sum3A_124 = vector.shape_cast %select_n3A_123 : vector<4x128xf32> to vector<1x4x128xf32>
    %reduce_sum3A_125 = arith.constant dense<0.000000e+00> : vector<1xf32>
    %reduce_sum3A_126 = vector.multi_reduction <add>, %reduce_sum3A_124, %reduce_sum3A_125 [1, 2] : vector<1x4x128xf32> to vector<1xf32>
    %reduce_sum3A_127 = vector.shape_cast %reduce_sum3A_126 : vector<1xf32> to vector<1x1x1xf32>
    %reduce_sum3A_128 = vector.extract %reduce_sum3A_127[0, 0, 0] : f32 from vector<1x1x1xf32>
    %jit3A_129 = arith.constant 0.000000e+00 : f32
    %broadcast_in_dim3A_130 = vector.broadcast %reduce_sum3A_128 : f32 to vector<16x1xf32>
    %broadcast_in_dim3A_131 = vector.broadcast %jit3A_129 : f32 to vector<16x1xf32>
    %select_n3A_132 = arith.select %eq3A_94, %broadcast_in_dim3A_130, %broadcast_in_dim3A_131 : vector<16x1xi1>, vector<16x1xf32>
    %add3A_133 = arith.addf %add3A_71, %select_n3A_132 : vector<16x1xf32>
    %jit3A_134 = arith.constant 3.000000e+38 : f32
    %broadcast_in_dim3A_135 = vector.broadcast %jit3A_134 : f32 to vector<4x128xf32>
    %select_n3A_136 = arith.select %eq3A_91, %broadcast_in_dim3A_135, %select_n3A_74 : vector<4x128xi1>, vector<4x128xf32>
    %reduce_min3A_137 = vector.shape_cast %select_n3A_136 : vector<4x128xf32> to vector<1x4x128xf32>
    %reduce_min3A_138 = arith.constant dense<0x7F800000> : vector<1xf32>
    %reduce_min3A_139 = vector.multi_reduction <minimumf>, %reduce_min3A_137, %reduce_min3A_138 [1, 2] : vector<1x4x128xf32> to vector<1xf32>
    %reduce_min3A_140 = vector.shape_cast %reduce_min3A_139 : vector<1xf32> to vector<1x1x1xf32>
    %reduce_min3A_141 = vector.extract %reduce_min3A_140[0, 0, 0] : f32 from vector<1x1x1xf32>
    %eq3A_142 = vector.broadcast %reduce_min3A_141 : f32 to vector<4x128xf32>
    %eq3A_143 = arith.cmpf oeq, %select_n3A_136, %eq3A_142 : vector<4x128xf32>
    %jit3A_144 = arith.constant 3.000000e+38 : f32
    %broadcast_in_dim3A_145 = vector.broadcast %jit3A_144 : f32 to vector<4x128xf32>
    %select_n3A_146 = arith.select %eq3A_143, %get3A_4, %broadcast_in_dim3A_145 : vector<4x128xi1>, vector<4x128xf32>
    %reduce_min3A_147 = vector.shape_cast %select_n3A_146 : vector<4x128xf32> to vector<1x4x128xf32>
    %reduce_min3A_148 = arith.constant dense<0x7F800000> : vector<1xf32>
    %reduce_min3A_149 = vector.multi_reduction <minimumf>, %reduce_min3A_147, %reduce_min3A_148 [1, 2] : vector<1x4x128xf32> to vector<1xf32>
    %reduce_min3A_150 = vector.shape_cast %reduce_min3A_149 : vector<1xf32> to vector<1x1x1xf32>
    %reduce_min3A_151 = vector.extract %reduce_min3A_150[0, 0, 0] : f32 from vector<1x1x1xf32>
    %eq3A_152 = vector.broadcast %reduce_min3A_151 : f32 to vector<4x128xf32>
    %eq3A_153 = arith.cmpf oeq, %get3A_4, %eq3A_152 : vector<4x128xf32>
    %eq3A_154 = arith.constant 2 : i32
    %eq3A_155 = vector.broadcast %eq3A_154 : i32 to vector<16x1xi32>
    %eq3A_156 = arith.cmpi eq, %iota3A, %eq3A_155 : vector<16x1xi32>
    %jit3A_157 = arith.constant 0.000000e+00 : f32
    %broadcast_in_dim3A_158 = vector.broadcast %jit3A_157 : f32 to vector<4x128xf32>
    %select_n3A_159 = arith.select %eq3A_153, %get3A_7, %broadcast_in_dim3A_158 : vector<4x128xi1>, vector<4x128xf32>
    %reduce_sum3A_160 = vector.shape_cast %select_n3A_159 : vector<4x128xf32> to vector<1x4x128xf32>
    %reduce_sum3A_161 = arith.constant dense<0.000000e+00> : vector<1xf32>
    %reduce_sum3A_162 = vector.multi_reduction <add>, %reduce_sum3A_160, %reduce_sum3A_161 [1, 2] : vector<1x4x128xf32> to vector<1xf32>
    %reduce_sum3A_163 = vector.shape_cast %reduce_sum3A_162 : vector<1xf32> to vector<1x1x1xf32>
    %reduce_sum3A_164 = vector.extract %reduce_sum3A_163[0, 0, 0] : f32 from vector<1x1x1xf32>
    %jit3A_165 = arith.constant 0.000000e+00 : f32
    %broadcast_in_dim3A_166 = vector.broadcast %reduce_sum3A_164 : f32 to vector<16x1xf32>
    %broadcast_in_dim3A_167 = vector.broadcast %jit3A_165 : f32 to vector<16x1xf32>
    %select_n3A_168 = arith.select %eq3A_156, %broadcast_in_dim3A_166, %broadcast_in_dim3A_167 : vector<16x1xi1>, vector<16x1xf32>
    %add3A_169 = arith.addf %add3A_107, %select_n3A_168 : vector<16x1xf32>
    %jit3A_170 = arith.constant 0.000000e+00 : f32
    %broadcast_in_dim3A_171 = vector.broadcast %jit3A_170 : f32 to vector<4x128xf32>
    %select_n3A_172 = arith.select %eq3A_153, %get3A_10, %broadcast_in_dim3A_171 : vector<4x128xi1>, vector<4x128xf32>
    %reduce_sum3A_173 = vector.shape_cast %select_n3A_172 : vector<4x128xf32> to vector<1x4x128xf32>
    %reduce_sum3A_174 = arith.constant dense<0.000000e+00> : vector<1xf32>
    %reduce_sum3A_175 = vector.multi_reduction <add>, %reduce_sum3A_173, %reduce_sum3A_174 [1, 2] : vector<1x4x128xf32> to vector<1xf32>
    %reduce_sum3A_176 = vector.shape_cast %reduce_sum3A_175 : vector<1xf32> to vector<1x1x1xf32>
    %reduce_sum3A_177 = vector.extract %reduce_sum3A_176[0, 0, 0] : f32 from vector<1x1x1xf32>
    %jit3A_178 = arith.constant 0.000000e+00 : f32
    %broadcast_in_dim3A_179 = vector.broadcast %reduce_sum3A_177 : f32 to vector<16x1xf32>
    %broadcast_in_dim3A_180 = vector.broadcast %jit3A_178 : f32 to vector<16x1xf32>
    %select_n3A_181 = arith.select %eq3A_156, %broadcast_in_dim3A_179, %broadcast_in_dim3A_180 : vector<16x1xi1>, vector<16x1xf32>
    %add3A_182 = arith.addf %add3A_120, %select_n3A_181 : vector<16x1xf32>
    %jit3A_183 = arith.constant 0.000000e+00 : f32
    %broadcast_in_dim3A_184 = vector.broadcast %jit3A_183 : f32 to vector<4x128xf32>
    %select_n3A_185 = arith.select %eq3A_153, %get3A_13, %broadcast_in_dim3A_184 : vector<4x128xi1>, vector<4x128xf32>
    %reduce_sum3A_186 = vector.shape_cast %select_n3A_185 : vector<4x128xf32> to vector<1x4x128xf32>
    %reduce_sum3A_187 = arith.constant dense<0.000000e+00> : vector<1xf32>
    %reduce_sum3A_188 = vector.multi_reduction <add>, %reduce_sum3A_186, %reduce_sum3A_187 [1, 2] : vector<1x4x128xf32> to vector<1xf32>
    %reduce_sum3A_189 = vector.shape_cast %reduce_sum3A_188 : vector<1xf32> to vector<1x1x1xf32>
    %reduce_sum3A_190 = vector.extract %reduce_sum3A_189[0, 0, 0] : f32 from vector<1x1x1xf32>
    %jit3A_191 = arith.constant 0.000000e+00 : f32
    %broadcast_in_dim3A_192 = vector.broadcast %reduce_sum3A_190 : f32 to vector<16x1xf32>
    %broadcast_in_dim3A_193 = vector.broadcast %jit3A_191 : f32 to vector<16x1xf32>
    %select_n3A_194 = arith.select %eq3A_156, %broadcast_in_dim3A_192, %broadcast_in_dim3A_193 : vector<16x1xi1>, vector<16x1xf32>
    %add3A_195 = arith.addf %add3A_133, %select_n3A_194 : vector<16x1xf32>
    %jit3A_196 = arith.constant 3.000000e+38 : f32
    %broadcast_in_dim3A_197 = vector.broadcast %jit3A_196 : f32 to vector<4x128xf32>
    %select_n3A_198 = arith.select %eq3A_153, %broadcast_in_dim3A_197, %select_n3A_136 : vector<4x128xi1>, vector<4x128xf32>
    %reduce_min3A_199 = vector.shape_cast %select_n3A_198 : vector<4x128xf32> to vector<1x4x128xf32>
    %reduce_min3A_200 = arith.constant dense<0x7F800000> : vector<1xf32>
    %reduce_min3A_201 = vector.multi_reduction <minimumf>, %reduce_min3A_199, %reduce_min3A_200 [1, 2] : vector<1x4x128xf32> to vector<1xf32>
    %reduce_min3A_202 = vector.shape_cast %reduce_min3A_201 : vector<1xf32> to vector<1x1x1xf32>
    %reduce_min3A_203 = vector.extract %reduce_min3A_202[0, 0, 0] : f32 from vector<1x1x1xf32>
    %eq3A_204 = vector.broadcast %reduce_min3A_203 : f32 to vector<4x128xf32>
    %eq3A_205 = arith.cmpf oeq, %select_n3A_198, %eq3A_204 : vector<4x128xf32>
    %jit3A_206 = arith.constant 3.000000e+38 : f32
    %broadcast_in_dim3A_207 = vector.broadcast %jit3A_206 : f32 to vector<4x128xf32>
    %select_n3A_208 = arith.select %eq3A_205, %get3A_4, %broadcast_in_dim3A_207 : vector<4x128xi1>, vector<4x128xf32>
    %reduce_min3A_209 = vector.shape_cast %select_n3A_208 : vector<4x128xf32> to vector<1x4x128xf32>
    %reduce_min3A_210 = arith.constant dense<0x7F800000> : vector<1xf32>
    %reduce_min3A_211 = vector.multi_reduction <minimumf>, %reduce_min3A_209, %reduce_min3A_210 [1, 2] : vector<1x4x128xf32> to vector<1xf32>
    %reduce_min3A_212 = vector.shape_cast %reduce_min3A_211 : vector<1xf32> to vector<1x1x1xf32>
    %reduce_min3A_213 = vector.extract %reduce_min3A_212[0, 0, 0] : f32 from vector<1x1x1xf32>
    %eq3A_214 = vector.broadcast %reduce_min3A_213 : f32 to vector<4x128xf32>
    %eq3A_215 = arith.cmpf oeq, %get3A_4, %eq3A_214 : vector<4x128xf32>
    %eq3A_216 = arith.constant 3 : i32
    %eq3A_217 = vector.broadcast %eq3A_216 : i32 to vector<16x1xi32>
    %eq3A_218 = arith.cmpi eq, %iota3A, %eq3A_217 : vector<16x1xi32>
    %jit3A_219 = arith.constant 0.000000e+00 : f32
    %broadcast_in_dim3A_220 = vector.broadcast %jit3A_219 : f32 to vector<4x128xf32>
    %select_n3A_221 = arith.select %eq3A_215, %get3A_7, %broadcast_in_dim3A_220 : vector<4x128xi1>, vector<4x128xf32>
    %reduce_sum3A_222 = vector.shape_cast %select_n3A_221 : vector<4x128xf32> to vector<1x4x128xf32>
    %reduce_sum3A_223 = arith.constant dense<0.000000e+00> : vector<1xf32>
    %reduce_sum3A_224 = vector.multi_reduction <add>, %reduce_sum3A_222, %reduce_sum3A_223 [1, 2] : vector<1x4x128xf32> to vector<1xf32>
    %reduce_sum3A_225 = vector.shape_cast %reduce_sum3A_224 : vector<1xf32> to vector<1x1x1xf32>
    %reduce_sum3A_226 = vector.extract %reduce_sum3A_225[0, 0, 0] : f32 from vector<1x1x1xf32>
    %jit3A_227 = arith.constant 0.000000e+00 : f32
    %broadcast_in_dim3A_228 = vector.broadcast %reduce_sum3A_226 : f32 to vector<16x1xf32>
    %broadcast_in_dim3A_229 = vector.broadcast %jit3A_227 : f32 to vector<16x1xf32>
    %select_n3A_230 = arith.select %eq3A_218, %broadcast_in_dim3A_228, %broadcast_in_dim3A_229 : vector<16x1xi1>, vector<16x1xf32>
    %add3A_231 = arith.addf %add3A_169, %select_n3A_230 : vector<16x1xf32>
    %jit3A_232 = arith.constant 0.000000e+00 : f32
    %broadcast_in_dim3A_233 = vector.broadcast %jit3A_232 : f32 to vector<4x128xf32>
    %select_n3A_234 = arith.select %eq3A_215, %get3A_10, %broadcast_in_dim3A_233 : vector<4x128xi1>, vector<4x128xf32>
    %reduce_sum3A_235 = vector.shape_cast %select_n3A_234 : vector<4x128xf32> to vector<1x4x128xf32>
    %reduce_sum3A_236 = arith.constant dense<0.000000e+00> : vector<1xf32>
    %reduce_sum3A_237 = vector.multi_reduction <add>, %reduce_sum3A_235, %reduce_sum3A_236 [1, 2] : vector<1x4x128xf32> to vector<1xf32>
    %reduce_sum3A_238 = vector.shape_cast %reduce_sum3A_237 : vector<1xf32> to vector<1x1x1xf32>
    %reduce_sum3A_239 = vector.extract %reduce_sum3A_238[0, 0, 0] : f32 from vector<1x1x1xf32>
    %jit3A_240 = arith.constant 0.000000e+00 : f32
    %broadcast_in_dim3A_241 = vector.broadcast %reduce_sum3A_239 : f32 to vector<16x1xf32>
    %broadcast_in_dim3A_242 = vector.broadcast %jit3A_240 : f32 to vector<16x1xf32>
    %select_n3A_243 = arith.select %eq3A_218, %broadcast_in_dim3A_241, %broadcast_in_dim3A_242 : vector<16x1xi1>, vector<16x1xf32>
    %add3A_244 = arith.addf %add3A_182, %select_n3A_243 : vector<16x1xf32>
    %jit3A_245 = arith.constant 0.000000e+00 : f32
    %broadcast_in_dim3A_246 = vector.broadcast %jit3A_245 : f32 to vector<4x128xf32>
    %select_n3A_247 = arith.select %eq3A_215, %get3A_13, %broadcast_in_dim3A_246 : vector<4x128xi1>, vector<4x128xf32>
    %reduce_sum3A_248 = vector.shape_cast %select_n3A_247 : vector<4x128xf32> to vector<1x4x128xf32>
    %reduce_sum3A_249 = arith.constant dense<0.000000e+00> : vector<1xf32>
    %reduce_sum3A_250 = vector.multi_reduction <add>, %reduce_sum3A_248, %reduce_sum3A_249 [1, 2] : vector<1x4x128xf32> to vector<1xf32>
    %reduce_sum3A_251 = vector.shape_cast %reduce_sum3A_250 : vector<1xf32> to vector<1x1x1xf32>
    %reduce_sum3A_252 = vector.extract %reduce_sum3A_251[0, 0, 0] : f32 from vector<1x1x1xf32>
    %jit3A_253 = arith.constant 0.000000e+00 : f32
    %broadcast_in_dim3A_254 = vector.broadcast %reduce_sum3A_252 : f32 to vector<16x1xf32>
    %broadcast_in_dim3A_255 = vector.broadcast %jit3A_253 : f32 to vector<16x1xf32>
    %select_n3A_256 = arith.select %eq3A_218, %broadcast_in_dim3A_254, %broadcast_in_dim3A_255 : vector<16x1xi1>, vector<16x1xf32>
    %add3A_257 = arith.addf %add3A_195, %select_n3A_256 : vector<16x1xf32>
    %jit3A_258 = arith.constant 3.000000e+38 : f32
    %broadcast_in_dim3A_259 = vector.broadcast %jit3A_258 : f32 to vector<4x128xf32>
    %select_n3A_260 = arith.select %eq3A_215, %broadcast_in_dim3A_259, %select_n3A_198 : vector<4x128xi1>, vector<4x128xf32>
    %reduce_min3A_261 = vector.shape_cast %select_n3A_260 : vector<4x128xf32> to vector<1x4x128xf32>
    %reduce_min3A_262 = arith.constant dense<0x7F800000> : vector<1xf32>
    %reduce_min3A_263 = vector.multi_reduction <minimumf>, %reduce_min3A_261, %reduce_min3A_262 [1, 2] : vector<1x4x128xf32> to vector<1xf32>
    %reduce_min3A_264 = vector.shape_cast %reduce_min3A_263 : vector<1xf32> to vector<1x1x1xf32>
    %reduce_min3A_265 = vector.extract %reduce_min3A_264[0, 0, 0] : f32 from vector<1x1x1xf32>
    %eq3A_266 = vector.broadcast %reduce_min3A_265 : f32 to vector<4x128xf32>
    %eq3A_267 = arith.cmpf oeq, %select_n3A_260, %eq3A_266 : vector<4x128xf32>
    %jit3A_268 = arith.constant 3.000000e+38 : f32
    %broadcast_in_dim3A_269 = vector.broadcast %jit3A_268 : f32 to vector<4x128xf32>
    %select_n3A_270 = arith.select %eq3A_267, %get3A_4, %broadcast_in_dim3A_269 : vector<4x128xi1>, vector<4x128xf32>
    %reduce_min3A_271 = vector.shape_cast %select_n3A_270 : vector<4x128xf32> to vector<1x4x128xf32>
    %reduce_min3A_272 = arith.constant dense<0x7F800000> : vector<1xf32>
    %reduce_min3A_273 = vector.multi_reduction <minimumf>, %reduce_min3A_271, %reduce_min3A_272 [1, 2] : vector<1x4x128xf32> to vector<1xf32>
    %reduce_min3A_274 = vector.shape_cast %reduce_min3A_273 : vector<1xf32> to vector<1x1x1xf32>
    %reduce_min3A_275 = vector.extract %reduce_min3A_274[0, 0, 0] : f32 from vector<1x1x1xf32>
    %eq3A_276 = vector.broadcast %reduce_min3A_275 : f32 to vector<4x128xf32>
    %eq3A_277 = arith.cmpf oeq, %get3A_4, %eq3A_276 : vector<4x128xf32>
    %eq3A_278 = arith.constant 4 : i32
    %eq3A_279 = vector.broadcast %eq3A_278 : i32 to vector<16x1xi32>
    %eq3A_280 = arith.cmpi eq, %iota3A, %eq3A_279 : vector<16x1xi32>
    %jit3A_281 = arith.constant 0.000000e+00 : f32
    %broadcast_in_dim3A_282 = vector.broadcast %jit3A_281 : f32 to vector<4x128xf32>
    %select_n3A_283 = arith.select %eq3A_277, %get3A_7, %broadcast_in_dim3A_282 : vector<4x128xi1>, vector<4x128xf32>
    %reduce_sum3A_284 = vector.shape_cast %select_n3A_283 : vector<4x128xf32> to vector<1x4x128xf32>
    %reduce_sum3A_285 = arith.constant dense<0.000000e+00> : vector<1xf32>
    %reduce_sum3A_286 = vector.multi_reduction <add>, %reduce_sum3A_284, %reduce_sum3A_285 [1, 2] : vector<1x4x128xf32> to vector<1xf32>
    %reduce_sum3A_287 = vector.shape_cast %reduce_sum3A_286 : vector<1xf32> to vector<1x1x1xf32>
    %reduce_sum3A_288 = vector.extract %reduce_sum3A_287[0, 0, 0] : f32 from vector<1x1x1xf32>
    %jit3A_289 = arith.constant 0.000000e+00 : f32
    %broadcast_in_dim3A_290 = vector.broadcast %reduce_sum3A_288 : f32 to vector<16x1xf32>
    %broadcast_in_dim3A_291 = vector.broadcast %jit3A_289 : f32 to vector<16x1xf32>
    %select_n3A_292 = arith.select %eq3A_280, %broadcast_in_dim3A_290, %broadcast_in_dim3A_291 : vector<16x1xi1>, vector<16x1xf32>
    %add3A_293 = arith.addf %add3A_231, %select_n3A_292 : vector<16x1xf32>
    %jit3A_294 = arith.constant 0.000000e+00 : f32
    %broadcast_in_dim3A_295 = vector.broadcast %jit3A_294 : f32 to vector<4x128xf32>
    %select_n3A_296 = arith.select %eq3A_277, %get3A_10, %broadcast_in_dim3A_295 : vector<4x128xi1>, vector<4x128xf32>
    %reduce_sum3A_297 = vector.shape_cast %select_n3A_296 : vector<4x128xf32> to vector<1x4x128xf32>
    %reduce_sum3A_298 = arith.constant dense<0.000000e+00> : vector<1xf32>
    %reduce_sum3A_299 = vector.multi_reduction <add>, %reduce_sum3A_297, %reduce_sum3A_298 [1, 2] : vector<1x4x128xf32> to vector<1xf32>
    %reduce_sum3A_300 = vector.shape_cast %reduce_sum3A_299 : vector<1xf32> to vector<1x1x1xf32>
    %reduce_sum3A_301 = vector.extract %reduce_sum3A_300[0, 0, 0] : f32 from vector<1x1x1xf32>
    %jit3A_302 = arith.constant 0.000000e+00 : f32
    %broadcast_in_dim3A_303 = vector.broadcast %reduce_sum3A_301 : f32 to vector<16x1xf32>
    %broadcast_in_dim3A_304 = vector.broadcast %jit3A_302 : f32 to vector<16x1xf32>
    %select_n3A_305 = arith.select %eq3A_280, %broadcast_in_dim3A_303, %broadcast_in_dim3A_304 : vector<16x1xi1>, vector<16x1xf32>
    %add3A_306 = arith.addf %add3A_244, %select_n3A_305 : vector<16x1xf32>
    %jit3A_307 = arith.constant 0.000000e+00 : f32
    %broadcast_in_dim3A_308 = vector.broadcast %jit3A_307 : f32 to vector<4x128xf32>
    %select_n3A_309 = arith.select %eq3A_277, %get3A_13, %broadcast_in_dim3A_308 : vector<4x128xi1>, vector<4x128xf32>
    %reduce_sum3A_310 = vector.shape_cast %select_n3A_309 : vector<4x128xf32> to vector<1x4x128xf32>
    %reduce_sum3A_311 = arith.constant dense<0.000000e+00> : vector<1xf32>
    %reduce_sum3A_312 = vector.multi_reduction <add>, %reduce_sum3A_310, %reduce_sum3A_311 [1, 2] : vector<1x4x128xf32> to vector<1xf32>
    %reduce_sum3A_313 = vector.shape_cast %reduce_sum3A_312 : vector<1xf32> to vector<1x1x1xf32>
    %reduce_sum3A_314 = vector.extract %reduce_sum3A_313[0, 0, 0] : f32 from vector<1x1x1xf32>
    %jit3A_315 = arith.constant 0.000000e+00 : f32
    %broadcast_in_dim3A_316 = vector.broadcast %reduce_sum3A_314 : f32 to vector<16x1xf32>
    %broadcast_in_dim3A_317 = vector.broadcast %jit3A_315 : f32 to vector<16x1xf32>
    %select_n3A_318 = arith.select %eq3A_280, %broadcast_in_dim3A_316, %broadcast_in_dim3A_317 : vector<16x1xi1>, vector<16x1xf32>
    %add3A_319 = arith.addf %add3A_257, %select_n3A_318 : vector<16x1xf32>
    %jit3A_320 = arith.constant 3.000000e+38 : f32
    %broadcast_in_dim3A_321 = vector.broadcast %jit3A_320 : f32 to vector<4x128xf32>
    %select_n3A_322 = arith.select %eq3A_277, %broadcast_in_dim3A_321, %select_n3A_260 : vector<4x128xi1>, vector<4x128xf32>
    %reduce_min3A_323 = vector.shape_cast %select_n3A_322 : vector<4x128xf32> to vector<1x4x128xf32>
    %reduce_min3A_324 = arith.constant dense<0x7F800000> : vector<1xf32>
    %reduce_min3A_325 = vector.multi_reduction <minimumf>, %reduce_min3A_323, %reduce_min3A_324 [1, 2] : vector<1x4x128xf32> to vector<1xf32>
    %reduce_min3A_326 = vector.shape_cast %reduce_min3A_325 : vector<1xf32> to vector<1x1x1xf32>
    %reduce_min3A_327 = vector.extract %reduce_min3A_326[0, 0, 0] : f32 from vector<1x1x1xf32>
    %eq3A_328 = vector.broadcast %reduce_min3A_327 : f32 to vector<4x128xf32>
    %eq3A_329 = arith.cmpf oeq, %select_n3A_322, %eq3A_328 : vector<4x128xf32>
    %jit3A_330 = arith.constant 3.000000e+38 : f32
    %broadcast_in_dim3A_331 = vector.broadcast %jit3A_330 : f32 to vector<4x128xf32>
    %select_n3A_332 = arith.select %eq3A_329, %get3A_4, %broadcast_in_dim3A_331 : vector<4x128xi1>, vector<4x128xf32>
    %reduce_min3A_333 = vector.shape_cast %select_n3A_332 : vector<4x128xf32> to vector<1x4x128xf32>
    %reduce_min3A_334 = arith.constant dense<0x7F800000> : vector<1xf32>
    %reduce_min3A_335 = vector.multi_reduction <minimumf>, %reduce_min3A_333, %reduce_min3A_334 [1, 2] : vector<1x4x128xf32> to vector<1xf32>
    %reduce_min3A_336 = vector.shape_cast %reduce_min3A_335 : vector<1xf32> to vector<1x1x1xf32>
    %reduce_min3A_337 = vector.extract %reduce_min3A_336[0, 0, 0] : f32 from vector<1x1x1xf32>
    %eq3A_338 = vector.broadcast %reduce_min3A_337 : f32 to vector<4x128xf32>
    %eq3A_339 = arith.cmpf oeq, %get3A_4, %eq3A_338 : vector<4x128xf32>
    %eq3A_340 = arith.constant 5 : i32
    %eq3A_341 = vector.broadcast %eq3A_340 : i32 to vector<16x1xi32>
    %eq3A_342 = arith.cmpi eq, %iota3A, %eq3A_341 : vector<16x1xi32>
    %jit3A_343 = arith.constant 0.000000e+00 : f32
    %broadcast_in_dim3A_344 = vector.broadcast %jit3A_343 : f32 to vector<4x128xf32>
    %select_n3A_345 = arith.select %eq3A_339, %get3A_7, %broadcast_in_dim3A_344 : vector<4x128xi1>, vector<4x128xf32>
    %reduce_sum3A_346 = vector.shape_cast %select_n3A_345 : vector<4x128xf32> to vector<1x4x128xf32>
    %reduce_sum3A_347 = arith.constant dense<0.000000e+00> : vector<1xf32>
    %reduce_sum3A_348 = vector.multi_reduction <add>, %reduce_sum3A_346, %reduce_sum3A_347 [1, 2] : vector<1x4x128xf32> to vector<1xf32>
    %reduce_sum3A_349 = vector.shape_cast %reduce_sum3A_348 : vector<1xf32> to vector<1x1x1xf32>
    %reduce_sum3A_350 = vector.extract %reduce_sum3A_349[0, 0, 0] : f32 from vector<1x1x1xf32>
    %jit3A_351 = arith.constant 0.000000e+00 : f32
    %broadcast_in_dim3A_352 = vector.broadcast %reduce_sum3A_350 : f32 to vector<16x1xf32>
    %broadcast_in_dim3A_353 = vector.broadcast %jit3A_351 : f32 to vector<16x1xf32>
    %select_n3A_354 = arith.select %eq3A_342, %broadcast_in_dim3A_352, %broadcast_in_dim3A_353 : vector<16x1xi1>, vector<16x1xf32>
    %add3A_355 = arith.addf %add3A_293, %select_n3A_354 : vector<16x1xf32>
    %jit3A_356 = arith.constant 0.000000e+00 : f32
    %broadcast_in_dim3A_357 = vector.broadcast %jit3A_356 : f32 to vector<4x128xf32>
    %select_n3A_358 = arith.select %eq3A_339, %get3A_10, %broadcast_in_dim3A_357 : vector<4x128xi1>, vector<4x128xf32>
    %reduce_sum3A_359 = vector.shape_cast %select_n3A_358 : vector<4x128xf32> to vector<1x4x128xf32>
    %reduce_sum3A_360 = arith.constant dense<0.000000e+00> : vector<1xf32>
    %reduce_sum3A_361 = vector.multi_reduction <add>, %reduce_sum3A_359, %reduce_sum3A_360 [1, 2] : vector<1x4x128xf32> to vector<1xf32>
    %reduce_sum3A_362 = vector.shape_cast %reduce_sum3A_361 : vector<1xf32> to vector<1x1x1xf32>
    %reduce_sum3A_363 = vector.extract %reduce_sum3A_362[0, 0, 0] : f32 from vector<1x1x1xf32>
    %jit3A_364 = arith.constant 0.000000e+00 : f32
    %broadcast_in_dim3A_365 = vector.broadcast %reduce_sum3A_363 : f32 to vector<16x1xf32>
    %broadcast_in_dim3A_366 = vector.broadcast %jit3A_364 : f32 to vector<16x1xf32>
    %select_n3A_367 = arith.select %eq3A_342, %broadcast_in_dim3A_365, %broadcast_in_dim3A_366 : vector<16x1xi1>, vector<16x1xf32>
    %add3A_368 = arith.addf %add3A_306, %select_n3A_367 : vector<16x1xf32>
    %jit3A_369 = arith.constant 0.000000e+00 : f32
    %broadcast_in_dim3A_370 = vector.broadcast %jit3A_369 : f32 to vector<4x128xf32>
    %select_n3A_371 = arith.select %eq3A_339, %get3A_13, %broadcast_in_dim3A_370 : vector<4x128xi1>, vector<4x128xf32>
    %reduce_sum3A_372 = vector.shape_cast %select_n3A_371 : vector<4x128xf32> to vector<1x4x128xf32>
    %reduce_sum3A_373 = arith.constant dense<0.000000e+00> : vector<1xf32>
    %reduce_sum3A_374 = vector.multi_reduction <add>, %reduce_sum3A_372, %reduce_sum3A_373 [1, 2] : vector<1x4x128xf32> to vector<1xf32>
    %reduce_sum3A_375 = vector.shape_cast %reduce_sum3A_374 : vector<1xf32> to vector<1x1x1xf32>
    %reduce_sum3A_376 = vector.extract %reduce_sum3A_375[0, 0, 0] : f32 from vector<1x1x1xf32>
    %jit3A_377 = arith.constant 0.000000e+00 : f32
    %broadcast_in_dim3A_378 = vector.broadcast %reduce_sum3A_376 : f32 to vector<16x1xf32>
    %broadcast_in_dim3A_379 = vector.broadcast %jit3A_377 : f32 to vector<16x1xf32>
    %select_n3A_380 = arith.select %eq3A_342, %broadcast_in_dim3A_378, %broadcast_in_dim3A_379 : vector<16x1xi1>, vector<16x1xf32>
    %add3A_381 = arith.addf %add3A_319, %select_n3A_380 : vector<16x1xf32>
    %jit3A_382 = arith.constant 3.000000e+38 : f32
    %broadcast_in_dim3A_383 = vector.broadcast %jit3A_382 : f32 to vector<4x128xf32>
    %select_n3A_384 = arith.select %eq3A_339, %broadcast_in_dim3A_383, %select_n3A_322 : vector<4x128xi1>, vector<4x128xf32>
    %reduce_min3A_385 = vector.shape_cast %select_n3A_384 : vector<4x128xf32> to vector<1x4x128xf32>
    %reduce_min3A_386 = arith.constant dense<0x7F800000> : vector<1xf32>
    %reduce_min3A_387 = vector.multi_reduction <minimumf>, %reduce_min3A_385, %reduce_min3A_386 [1, 2] : vector<1x4x128xf32> to vector<1xf32>
    %reduce_min3A_388 = vector.shape_cast %reduce_min3A_387 : vector<1xf32> to vector<1x1x1xf32>
    %reduce_min3A_389 = vector.extract %reduce_min3A_388[0, 0, 0] : f32 from vector<1x1x1xf32>
    %eq3A_390 = vector.broadcast %reduce_min3A_389 : f32 to vector<4x128xf32>
    %eq3A_391 = arith.cmpf oeq, %select_n3A_384, %eq3A_390 : vector<4x128xf32>
    %jit3A_392 = arith.constant 3.000000e+38 : f32
    %broadcast_in_dim3A_393 = vector.broadcast %jit3A_392 : f32 to vector<4x128xf32>
    %select_n3A_394 = arith.select %eq3A_391, %get3A_4, %broadcast_in_dim3A_393 : vector<4x128xi1>, vector<4x128xf32>
    %reduce_min3A_395 = vector.shape_cast %select_n3A_394 : vector<4x128xf32> to vector<1x4x128xf32>
    %reduce_min3A_396 = arith.constant dense<0x7F800000> : vector<1xf32>
    %reduce_min3A_397 = vector.multi_reduction <minimumf>, %reduce_min3A_395, %reduce_min3A_396 [1, 2] : vector<1x4x128xf32> to vector<1xf32>
    %reduce_min3A_398 = vector.shape_cast %reduce_min3A_397 : vector<1xf32> to vector<1x1x1xf32>
    %reduce_min3A_399 = vector.extract %reduce_min3A_398[0, 0, 0] : f32 from vector<1x1x1xf32>
    %eq3A_400 = vector.broadcast %reduce_min3A_399 : f32 to vector<4x128xf32>
    %eq3A_401 = arith.cmpf oeq, %get3A_4, %eq3A_400 : vector<4x128xf32>
    %eq3A_402 = arith.constant 6 : i32
    %eq3A_403 = vector.broadcast %eq3A_402 : i32 to vector<16x1xi32>
    %eq3A_404 = arith.cmpi eq, %iota3A, %eq3A_403 : vector<16x1xi32>
    %jit3A_405 = arith.constant 0.000000e+00 : f32
    %broadcast_in_dim3A_406 = vector.broadcast %jit3A_405 : f32 to vector<4x128xf32>
    %select_n3A_407 = arith.select %eq3A_401, %get3A_7, %broadcast_in_dim3A_406 : vector<4x128xi1>, vector<4x128xf32>
    %reduce_sum3A_408 = vector.shape_cast %select_n3A_407 : vector<4x128xf32> to vector<1x4x128xf32>
    %reduce_sum3A_409 = arith.constant dense<0.000000e+00> : vector<1xf32>
    %reduce_sum3A_410 = vector.multi_reduction <add>, %reduce_sum3A_408, %reduce_sum3A_409 [1, 2] : vector<1x4x128xf32> to vector<1xf32>
    %reduce_sum3A_411 = vector.shape_cast %reduce_sum3A_410 : vector<1xf32> to vector<1x1x1xf32>
    %reduce_sum3A_412 = vector.extract %reduce_sum3A_411[0, 0, 0] : f32 from vector<1x1x1xf32>
    %jit3A_413 = arith.constant 0.000000e+00 : f32
    %broadcast_in_dim3A_414 = vector.broadcast %reduce_sum3A_412 : f32 to vector<16x1xf32>
    %broadcast_in_dim3A_415 = vector.broadcast %jit3A_413 : f32 to vector<16x1xf32>
    %select_n3A_416 = arith.select %eq3A_404, %broadcast_in_dim3A_414, %broadcast_in_dim3A_415 : vector<16x1xi1>, vector<16x1xf32>
    %add3A_417 = arith.addf %add3A_355, %select_n3A_416 : vector<16x1xf32>
    %jit3A_418 = arith.constant 0.000000e+00 : f32
    %broadcast_in_dim3A_419 = vector.broadcast %jit3A_418 : f32 to vector<4x128xf32>
    %select_n3A_420 = arith.select %eq3A_401, %get3A_10, %broadcast_in_dim3A_419 : vector<4x128xi1>, vector<4x128xf32>
    %reduce_sum3A_421 = vector.shape_cast %select_n3A_420 : vector<4x128xf32> to vector<1x4x128xf32>
    %reduce_sum3A_422 = arith.constant dense<0.000000e+00> : vector<1xf32>
    %reduce_sum3A_423 = vector.multi_reduction <add>, %reduce_sum3A_421, %reduce_sum3A_422 [1, 2] : vector<1x4x128xf32> to vector<1xf32>
    %reduce_sum3A_424 = vector.shape_cast %reduce_sum3A_423 : vector<1xf32> to vector<1x1x1xf32>
    %reduce_sum3A_425 = vector.extract %reduce_sum3A_424[0, 0, 0] : f32 from vector<1x1x1xf32>
    %jit3A_426 = arith.constant 0.000000e+00 : f32
    %broadcast_in_dim3A_427 = vector.broadcast %reduce_sum3A_425 : f32 to vector<16x1xf32>
    %broadcast_in_dim3A_428 = vector.broadcast %jit3A_426 : f32 to vector<16x1xf32>
    %select_n3A_429 = arith.select %eq3A_404, %broadcast_in_dim3A_427, %broadcast_in_dim3A_428 : vector<16x1xi1>, vector<16x1xf32>
    %add3A_430 = arith.addf %add3A_368, %select_n3A_429 : vector<16x1xf32>
    %jit3A_431 = arith.constant 0.000000e+00 : f32
    %broadcast_in_dim3A_432 = vector.broadcast %jit3A_431 : f32 to vector<4x128xf32>
    %select_n3A_433 = arith.select %eq3A_401, %get3A_13, %broadcast_in_dim3A_432 : vector<4x128xi1>, vector<4x128xf32>
    %reduce_sum3A_434 = vector.shape_cast %select_n3A_433 : vector<4x128xf32> to vector<1x4x128xf32>
    %reduce_sum3A_435 = arith.constant dense<0.000000e+00> : vector<1xf32>
    %reduce_sum3A_436 = vector.multi_reduction <add>, %reduce_sum3A_434, %reduce_sum3A_435 [1, 2] : vector<1x4x128xf32> to vector<1xf32>
    %reduce_sum3A_437 = vector.shape_cast %reduce_sum3A_436 : vector<1xf32> to vector<1x1x1xf32>
    %reduce_sum3A_438 = vector.extract %reduce_sum3A_437[0, 0, 0] : f32 from vector<1x1x1xf32>
    %jit3A_439 = arith.constant 0.000000e+00 : f32
    %broadcast_in_dim3A_440 = vector.broadcast %reduce_sum3A_438 : f32 to vector<16x1xf32>
    %broadcast_in_dim3A_441 = vector.broadcast %jit3A_439 : f32 to vector<16x1xf32>
    %select_n3A_442 = arith.select %eq3A_404, %broadcast_in_dim3A_440, %broadcast_in_dim3A_441 : vector<16x1xi1>, vector<16x1xf32>
    %add3A_443 = arith.addf %add3A_381, %select_n3A_442 : vector<16x1xf32>
    %jit3A_444 = arith.constant 3.000000e+38 : f32
    %broadcast_in_dim3A_445 = vector.broadcast %jit3A_444 : f32 to vector<4x128xf32>
    %select_n3A_446 = arith.select %eq3A_401, %broadcast_in_dim3A_445, %select_n3A_384 : vector<4x128xi1>, vector<4x128xf32>
    %reduce_min3A_447 = vector.shape_cast %select_n3A_446 : vector<4x128xf32> to vector<1x4x128xf32>
    %reduce_min3A_448 = arith.constant dense<0x7F800000> : vector<1xf32>
    %reduce_min3A_449 = vector.multi_reduction <minimumf>, %reduce_min3A_447, %reduce_min3A_448 [1, 2] : vector<1x4x128xf32> to vector<1xf32>
    %reduce_min3A_450 = vector.shape_cast %reduce_min3A_449 : vector<1xf32> to vector<1x1x1xf32>
    %reduce_min3A_451 = vector.extract %reduce_min3A_450[0, 0, 0] : f32 from vector<1x1x1xf32>
    %eq3A_452 = vector.broadcast %reduce_min3A_451 : f32 to vector<4x128xf32>
    %eq3A_453 = arith.cmpf oeq, %select_n3A_446, %eq3A_452 : vector<4x128xf32>
    %jit3A_454 = arith.constant 3.000000e+38 : f32
    %broadcast_in_dim3A_455 = vector.broadcast %jit3A_454 : f32 to vector<4x128xf32>
    %select_n3A_456 = arith.select %eq3A_453, %get3A_4, %broadcast_in_dim3A_455 : vector<4x128xi1>, vector<4x128xf32>
    %reduce_min3A_457 = vector.shape_cast %select_n3A_456 : vector<4x128xf32> to vector<1x4x128xf32>
    %reduce_min3A_458 = arith.constant dense<0x7F800000> : vector<1xf32>
    %reduce_min3A_459 = vector.multi_reduction <minimumf>, %reduce_min3A_457, %reduce_min3A_458 [1, 2] : vector<1x4x128xf32> to vector<1xf32>
    %reduce_min3A_460 = vector.shape_cast %reduce_min3A_459 : vector<1xf32> to vector<1x1x1xf32>
    %reduce_min3A_461 = vector.extract %reduce_min3A_460[0, 0, 0] : f32 from vector<1x1x1xf32>
    %eq3A_462 = vector.broadcast %reduce_min3A_461 : f32 to vector<4x128xf32>
    %eq3A_463 = arith.cmpf oeq, %get3A_4, %eq3A_462 : vector<4x128xf32>
    %eq3A_464 = arith.constant 7 : i32
    %eq3A_465 = vector.broadcast %eq3A_464 : i32 to vector<16x1xi32>
    %eq3A_466 = arith.cmpi eq, %iota3A, %eq3A_465 : vector<16x1xi32>
    %jit3A_467 = arith.constant 0.000000e+00 : f32
    %broadcast_in_dim3A_468 = vector.broadcast %jit3A_467 : f32 to vector<4x128xf32>
    %select_n3A_469 = arith.select %eq3A_463, %get3A_7, %broadcast_in_dim3A_468 : vector<4x128xi1>, vector<4x128xf32>
    %reduce_sum3A_470 = vector.shape_cast %select_n3A_469 : vector<4x128xf32> to vector<1x4x128xf32>
    %reduce_sum3A_471 = arith.constant dense<0.000000e+00> : vector<1xf32>
    %reduce_sum3A_472 = vector.multi_reduction <add>, %reduce_sum3A_470, %reduce_sum3A_471 [1, 2] : vector<1x4x128xf32> to vector<1xf32>
    %reduce_sum3A_473 = vector.shape_cast %reduce_sum3A_472 : vector<1xf32> to vector<1x1x1xf32>
    %reduce_sum3A_474 = vector.extract %reduce_sum3A_473[0, 0, 0] : f32 from vector<1x1x1xf32>
    %jit3A_475 = arith.constant 0.000000e+00 : f32
    %broadcast_in_dim3A_476 = vector.broadcast %reduce_sum3A_474 : f32 to vector<16x1xf32>
    %broadcast_in_dim3A_477 = vector.broadcast %jit3A_475 : f32 to vector<16x1xf32>
    %select_n3A_478 = arith.select %eq3A_466, %broadcast_in_dim3A_476, %broadcast_in_dim3A_477 : vector<16x1xi1>, vector<16x1xf32>
    %add3A_479 = arith.addf %add3A_417, %select_n3A_478 : vector<16x1xf32>
    %jit3A_480 = arith.constant 0.000000e+00 : f32
    %broadcast_in_dim3A_481 = vector.broadcast %jit3A_480 : f32 to vector<4x128xf32>
    %select_n3A_482 = arith.select %eq3A_463, %get3A_10, %broadcast_in_dim3A_481 : vector<4x128xi1>, vector<4x128xf32>
    %reduce_sum3A_483 = vector.shape_cast %select_n3A_482 : vector<4x128xf32> to vector<1x4x128xf32>
    %reduce_sum3A_484 = arith.constant dense<0.000000e+00> : vector<1xf32>
    %reduce_sum3A_485 = vector.multi_reduction <add>, %reduce_sum3A_483, %reduce_sum3A_484 [1, 2] : vector<1x4x128xf32> to vector<1xf32>
    %reduce_sum3A_486 = vector.shape_cast %reduce_sum3A_485 : vector<1xf32> to vector<1x1x1xf32>
    %reduce_sum3A_487 = vector.extract %reduce_sum3A_486[0, 0, 0] : f32 from vector<1x1x1xf32>
    %jit3A_488 = arith.constant 0.000000e+00 : f32
    %broadcast_in_dim3A_489 = vector.broadcast %reduce_sum3A_487 : f32 to vector<16x1xf32>
    %broadcast_in_dim3A_490 = vector.broadcast %jit3A_488 : f32 to vector<16x1xf32>
    %select_n3A_491 = arith.select %eq3A_466, %broadcast_in_dim3A_489, %broadcast_in_dim3A_490 : vector<16x1xi1>, vector<16x1xf32>
    %add3A_492 = arith.addf %add3A_430, %select_n3A_491 : vector<16x1xf32>
    %jit3A_493 = arith.constant 0.000000e+00 : f32
    %broadcast_in_dim3A_494 = vector.broadcast %jit3A_493 : f32 to vector<4x128xf32>
    %select_n3A_495 = arith.select %eq3A_463, %get3A_13, %broadcast_in_dim3A_494 : vector<4x128xi1>, vector<4x128xf32>
    %reduce_sum3A_496 = vector.shape_cast %select_n3A_495 : vector<4x128xf32> to vector<1x4x128xf32>
    %reduce_sum3A_497 = arith.constant dense<0.000000e+00> : vector<1xf32>
    %reduce_sum3A_498 = vector.multi_reduction <add>, %reduce_sum3A_496, %reduce_sum3A_497 [1, 2] : vector<1x4x128xf32> to vector<1xf32>
    %reduce_sum3A_499 = vector.shape_cast %reduce_sum3A_498 : vector<1xf32> to vector<1x1x1xf32>
    %reduce_sum3A_500 = vector.extract %reduce_sum3A_499[0, 0, 0] : f32 from vector<1x1x1xf32>
    %jit3A_501 = arith.constant 0.000000e+00 : f32
    %broadcast_in_dim3A_502 = vector.broadcast %reduce_sum3A_500 : f32 to vector<16x1xf32>
    %broadcast_in_dim3A_503 = vector.broadcast %jit3A_501 : f32 to vector<16x1xf32>
    %select_n3A_504 = arith.select %eq3A_466, %broadcast_in_dim3A_502, %broadcast_in_dim3A_503 : vector<16x1xi1>, vector<16x1xf32>
    %add3A_505 = arith.addf %add3A_443, %select_n3A_504 : vector<16x1xf32>
    %jit3A_506 = arith.constant 3.000000e+38 : f32
    %broadcast_in_dim3A_507 = vector.broadcast %jit3A_506 : f32 to vector<4x128xf32>
    %select_n3A_508 = arith.select %eq3A_463, %broadcast_in_dim3A_507, %select_n3A_446 : vector<4x128xi1>, vector<4x128xf32>
    %reduce_min3A_509 = vector.shape_cast %select_n3A_508 : vector<4x128xf32> to vector<1x4x128xf32>
    %reduce_min3A_510 = arith.constant dense<0x7F800000> : vector<1xf32>
    %reduce_min3A_511 = vector.multi_reduction <minimumf>, %reduce_min3A_509, %reduce_min3A_510 [1, 2] : vector<1x4x128xf32> to vector<1xf32>
    %reduce_min3A_512 = vector.shape_cast %reduce_min3A_511 : vector<1xf32> to vector<1x1x1xf32>
    %reduce_min3A_513 = vector.extract %reduce_min3A_512[0, 0, 0] : f32 from vector<1x1x1xf32>
    %eq3A_514 = vector.broadcast %reduce_min3A_513 : f32 to vector<4x128xf32>
    %eq3A_515 = arith.cmpf oeq, %select_n3A_508, %eq3A_514 : vector<4x128xf32>
    %jit3A_516 = arith.constant 3.000000e+38 : f32
    %broadcast_in_dim3A_517 = vector.broadcast %jit3A_516 : f32 to vector<4x128xf32>
    %select_n3A_518 = arith.select %eq3A_515, %get3A_4, %broadcast_in_dim3A_517 : vector<4x128xi1>, vector<4x128xf32>
    %reduce_min3A_519 = vector.shape_cast %select_n3A_518 : vector<4x128xf32> to vector<1x4x128xf32>
    %reduce_min3A_520 = arith.constant dense<0x7F800000> : vector<1xf32>
    %reduce_min3A_521 = vector.multi_reduction <minimumf>, %reduce_min3A_519, %reduce_min3A_520 [1, 2] : vector<1x4x128xf32> to vector<1xf32>
    %reduce_min3A_522 = vector.shape_cast %reduce_min3A_521 : vector<1xf32> to vector<1x1x1xf32>
    %reduce_min3A_523 = vector.extract %reduce_min3A_522[0, 0, 0] : f32 from vector<1x1x1xf32>
    %eq3A_524 = vector.broadcast %reduce_min3A_523 : f32 to vector<4x128xf32>
    %eq3A_525 = arith.cmpf oeq, %get3A_4, %eq3A_524 : vector<4x128xf32>
    %eq3A_526 = arith.constant 8 : i32
    %eq3A_527 = vector.broadcast %eq3A_526 : i32 to vector<16x1xi32>
    %eq3A_528 = arith.cmpi eq, %iota3A, %eq3A_527 : vector<16x1xi32>
    %jit3A_529 = arith.constant 0.000000e+00 : f32
    %broadcast_in_dim3A_530 = vector.broadcast %jit3A_529 : f32 to vector<4x128xf32>
    %select_n3A_531 = arith.select %eq3A_525, %get3A_7, %broadcast_in_dim3A_530 : vector<4x128xi1>, vector<4x128xf32>
    %reduce_sum3A_532 = vector.shape_cast %select_n3A_531 : vector<4x128xf32> to vector<1x4x128xf32>
    %reduce_sum3A_533 = arith.constant dense<0.000000e+00> : vector<1xf32>
    %reduce_sum3A_534 = vector.multi_reduction <add>, %reduce_sum3A_532, %reduce_sum3A_533 [1, 2] : vector<1x4x128xf32> to vector<1xf32>
    %reduce_sum3A_535 = vector.shape_cast %reduce_sum3A_534 : vector<1xf32> to vector<1x1x1xf32>
    %reduce_sum3A_536 = vector.extract %reduce_sum3A_535[0, 0, 0] : f32 from vector<1x1x1xf32>
    %jit3A_537 = arith.constant 0.000000e+00 : f32
    %broadcast_in_dim3A_538 = vector.broadcast %reduce_sum3A_536 : f32 to vector<16x1xf32>
    %broadcast_in_dim3A_539 = vector.broadcast %jit3A_537 : f32 to vector<16x1xf32>
    %select_n3A_540 = arith.select %eq3A_528, %broadcast_in_dim3A_538, %broadcast_in_dim3A_539 : vector<16x1xi1>, vector<16x1xf32>
    %add3A_541 = arith.addf %add3A_479, %select_n3A_540 : vector<16x1xf32>
    %jit3A_542 = arith.constant 0.000000e+00 : f32
    %broadcast_in_dim3A_543 = vector.broadcast %jit3A_542 : f32 to vector<4x128xf32>
    %select_n3A_544 = arith.select %eq3A_525, %get3A_10, %broadcast_in_dim3A_543 : vector<4x128xi1>, vector<4x128xf32>
    %reduce_sum3A_545 = vector.shape_cast %select_n3A_544 : vector<4x128xf32> to vector<1x4x128xf32>
    %reduce_sum3A_546 = arith.constant dense<0.000000e+00> : vector<1xf32>
    %reduce_sum3A_547 = vector.multi_reduction <add>, %reduce_sum3A_545, %reduce_sum3A_546 [1, 2] : vector<1x4x128xf32> to vector<1xf32>
    %reduce_sum3A_548 = vector.shape_cast %reduce_sum3A_547 : vector<1xf32> to vector<1x1x1xf32>
    %reduce_sum3A_549 = vector.extract %reduce_sum3A_548[0, 0, 0] : f32 from vector<1x1x1xf32>
    %jit3A_550 = arith.constant 0.000000e+00 : f32
    %broadcast_in_dim3A_551 = vector.broadcast %reduce_sum3A_549 : f32 to vector<16x1xf32>
    %broadcast_in_dim3A_552 = vector.broadcast %jit3A_550 : f32 to vector<16x1xf32>
    %select_n3A_553 = arith.select %eq3A_528, %broadcast_in_dim3A_551, %broadcast_in_dim3A_552 : vector<16x1xi1>, vector<16x1xf32>
    %add3A_554 = arith.addf %add3A_492, %select_n3A_553 : vector<16x1xf32>
    %jit3A_555 = arith.constant 0.000000e+00 : f32
    %broadcast_in_dim3A_556 = vector.broadcast %jit3A_555 : f32 to vector<4x128xf32>
    %select_n3A_557 = arith.select %eq3A_525, %get3A_13, %broadcast_in_dim3A_556 : vector<4x128xi1>, vector<4x128xf32>
    %reduce_sum3A_558 = vector.shape_cast %select_n3A_557 : vector<4x128xf32> to vector<1x4x128xf32>
    %reduce_sum3A_559 = arith.constant dense<0.000000e+00> : vector<1xf32>
    %reduce_sum3A_560 = vector.multi_reduction <add>, %reduce_sum3A_558, %reduce_sum3A_559 [1, 2] : vector<1x4x128xf32> to vector<1xf32>
    %reduce_sum3A_561 = vector.shape_cast %reduce_sum3A_560 : vector<1xf32> to vector<1x1x1xf32>
    %reduce_sum3A_562 = vector.extract %reduce_sum3A_561[0, 0, 0] : f32 from vector<1x1x1xf32>
    %jit3A_563 = arith.constant 0.000000e+00 : f32
    %broadcast_in_dim3A_564 = vector.broadcast %reduce_sum3A_562 : f32 to vector<16x1xf32>
    %broadcast_in_dim3A_565 = vector.broadcast %jit3A_563 : f32 to vector<16x1xf32>
    %select_n3A_566 = arith.select %eq3A_528, %broadcast_in_dim3A_564, %broadcast_in_dim3A_565 : vector<16x1xi1>, vector<16x1xf32>
    %add3A_567 = arith.addf %add3A_505, %select_n3A_566 : vector<16x1xf32>
    %jit3A_568 = arith.constant 3.000000e+38 : f32
    %broadcast_in_dim3A_569 = vector.broadcast %jit3A_568 : f32 to vector<4x128xf32>
    %select_n3A_570 = arith.select %eq3A_525, %broadcast_in_dim3A_569, %select_n3A_508 : vector<4x128xi1>, vector<4x128xf32>
    %reduce_min3A_571 = vector.shape_cast %select_n3A_570 : vector<4x128xf32> to vector<1x4x128xf32>
    %reduce_min3A_572 = arith.constant dense<0x7F800000> : vector<1xf32>
    %reduce_min3A_573 = vector.multi_reduction <minimumf>, %reduce_min3A_571, %reduce_min3A_572 [1, 2] : vector<1x4x128xf32> to vector<1xf32>
    %reduce_min3A_574 = vector.shape_cast %reduce_min3A_573 : vector<1xf32> to vector<1x1x1xf32>
    %reduce_min3A_575 = vector.extract %reduce_min3A_574[0, 0, 0] : f32 from vector<1x1x1xf32>
    %eq3A_576 = vector.broadcast %reduce_min3A_575 : f32 to vector<4x128xf32>
    %eq3A_577 = arith.cmpf oeq, %select_n3A_570, %eq3A_576 : vector<4x128xf32>
    %jit3A_578 = arith.constant 3.000000e+38 : f32
    %broadcast_in_dim3A_579 = vector.broadcast %jit3A_578 : f32 to vector<4x128xf32>
    %select_n3A_580 = arith.select %eq3A_577, %get3A_4, %broadcast_in_dim3A_579 : vector<4x128xi1>, vector<4x128xf32>
    %reduce_min3A_581 = vector.shape_cast %select_n3A_580 : vector<4x128xf32> to vector<1x4x128xf32>
    %reduce_min3A_582 = arith.constant dense<0x7F800000> : vector<1xf32>
    %reduce_min3A_583 = vector.multi_reduction <minimumf>, %reduce_min3A_581, %reduce_min3A_582 [1, 2] : vector<1x4x128xf32> to vector<1xf32>
    %reduce_min3A_584 = vector.shape_cast %reduce_min3A_583 : vector<1xf32> to vector<1x1x1xf32>
    %reduce_min3A_585 = vector.extract %reduce_min3A_584[0, 0, 0] : f32 from vector<1x1x1xf32>
    %eq3A_586 = vector.broadcast %reduce_min3A_585 : f32 to vector<4x128xf32>
    %eq3A_587 = arith.cmpf oeq, %get3A_4, %eq3A_586 : vector<4x128xf32>
    %eq3A_588 = arith.constant 9 : i32
    %eq3A_589 = vector.broadcast %eq3A_588 : i32 to vector<16x1xi32>
    %eq3A_590 = arith.cmpi eq, %iota3A, %eq3A_589 : vector<16x1xi32>
    %jit3A_591 = arith.constant 0.000000e+00 : f32
    %broadcast_in_dim3A_592 = vector.broadcast %jit3A_591 : f32 to vector<4x128xf32>
    %select_n3A_593 = arith.select %eq3A_587, %get3A_7, %broadcast_in_dim3A_592 : vector<4x128xi1>, vector<4x128xf32>
    %reduce_sum3A_594 = vector.shape_cast %select_n3A_593 : vector<4x128xf32> to vector<1x4x128xf32>
    %reduce_sum3A_595 = arith.constant dense<0.000000e+00> : vector<1xf32>
    %reduce_sum3A_596 = vector.multi_reduction <add>, %reduce_sum3A_594, %reduce_sum3A_595 [1, 2] : vector<1x4x128xf32> to vector<1xf32>
    %reduce_sum3A_597 = vector.shape_cast %reduce_sum3A_596 : vector<1xf32> to vector<1x1x1xf32>
    %reduce_sum3A_598 = vector.extract %reduce_sum3A_597[0, 0, 0] : f32 from vector<1x1x1xf32>
    %jit3A_599 = arith.constant 0.000000e+00 : f32
    %broadcast_in_dim3A_600 = vector.broadcast %reduce_sum3A_598 : f32 to vector<16x1xf32>
    %broadcast_in_dim3A_601 = vector.broadcast %jit3A_599 : f32 to vector<16x1xf32>
    %select_n3A_602 = arith.select %eq3A_590, %broadcast_in_dim3A_600, %broadcast_in_dim3A_601 : vector<16x1xi1>, vector<16x1xf32>
    %add3A_603 = arith.addf %add3A_541, %select_n3A_602 : vector<16x1xf32>
    %jit3A_604 = arith.constant 0.000000e+00 : f32
    %broadcast_in_dim3A_605 = vector.broadcast %jit3A_604 : f32 to vector<4x128xf32>
    %select_n3A_606 = arith.select %eq3A_587, %get3A_10, %broadcast_in_dim3A_605 : vector<4x128xi1>, vector<4x128xf32>
    %reduce_sum3A_607 = vector.shape_cast %select_n3A_606 : vector<4x128xf32> to vector<1x4x128xf32>
    %reduce_sum3A_608 = arith.constant dense<0.000000e+00> : vector<1xf32>
    %reduce_sum3A_609 = vector.multi_reduction <add>, %reduce_sum3A_607, %reduce_sum3A_608 [1, 2] : vector<1x4x128xf32> to vector<1xf32>
    %reduce_sum3A_610 = vector.shape_cast %reduce_sum3A_609 : vector<1xf32> to vector<1x1x1xf32>
    %reduce_sum3A_611 = vector.extract %reduce_sum3A_610[0, 0, 0] : f32 from vector<1x1x1xf32>
    %jit3A_612 = arith.constant 0.000000e+00 : f32
    %broadcast_in_dim3A_613 = vector.broadcast %reduce_sum3A_611 : f32 to vector<16x1xf32>
    %broadcast_in_dim3A_614 = vector.broadcast %jit3A_612 : f32 to vector<16x1xf32>
    %select_n3A_615 = arith.select %eq3A_590, %broadcast_in_dim3A_613, %broadcast_in_dim3A_614 : vector<16x1xi1>, vector<16x1xf32>
    %add3A_616 = arith.addf %add3A_554, %select_n3A_615 : vector<16x1xf32>
    %jit3A_617 = arith.constant 0.000000e+00 : f32
    %broadcast_in_dim3A_618 = vector.broadcast %jit3A_617 : f32 to vector<4x128xf32>
    %select_n3A_619 = arith.select %eq3A_587, %get3A_13, %broadcast_in_dim3A_618 : vector<4x128xi1>, vector<4x128xf32>
    %reduce_sum3A_620 = vector.shape_cast %select_n3A_619 : vector<4x128xf32> to vector<1x4x128xf32>
    %reduce_sum3A_621 = arith.constant dense<0.000000e+00> : vector<1xf32>
    %reduce_sum3A_622 = vector.multi_reduction <add>, %reduce_sum3A_620, %reduce_sum3A_621 [1, 2] : vector<1x4x128xf32> to vector<1xf32>
    %reduce_sum3A_623 = vector.shape_cast %reduce_sum3A_622 : vector<1xf32> to vector<1x1x1xf32>
    %reduce_sum3A_624 = vector.extract %reduce_sum3A_623[0, 0, 0] : f32 from vector<1x1x1xf32>
    %jit3A_625 = arith.constant 0.000000e+00 : f32
    %broadcast_in_dim3A_626 = vector.broadcast %reduce_sum3A_624 : f32 to vector<16x1xf32>
    %broadcast_in_dim3A_627 = vector.broadcast %jit3A_625 : f32 to vector<16x1xf32>
    %select_n3A_628 = arith.select %eq3A_590, %broadcast_in_dim3A_626, %broadcast_in_dim3A_627 : vector<16x1xi1>, vector<16x1xf32>
    %add3A_629 = arith.addf %add3A_567, %select_n3A_628 : vector<16x1xf32>
    %jit3A_630 = arith.constant 3.000000e+38 : f32
    %broadcast_in_dim3A_631 = vector.broadcast %jit3A_630 : f32 to vector<4x128xf32>
    %select_n3A_632 = arith.select %eq3A_587, %broadcast_in_dim3A_631, %select_n3A_570 : vector<4x128xi1>, vector<4x128xf32>
    %reduce_min3A_633 = vector.shape_cast %select_n3A_632 : vector<4x128xf32> to vector<1x4x128xf32>
    %reduce_min3A_634 = arith.constant dense<0x7F800000> : vector<1xf32>
    %reduce_min3A_635 = vector.multi_reduction <minimumf>, %reduce_min3A_633, %reduce_min3A_634 [1, 2] : vector<1x4x128xf32> to vector<1xf32>
    %reduce_min3A_636 = vector.shape_cast %reduce_min3A_635 : vector<1xf32> to vector<1x1x1xf32>
    %reduce_min3A_637 = vector.extract %reduce_min3A_636[0, 0, 0] : f32 from vector<1x1x1xf32>
    %eq3A_638 = vector.broadcast %reduce_min3A_637 : f32 to vector<4x128xf32>
    %eq3A_639 = arith.cmpf oeq, %select_n3A_632, %eq3A_638 : vector<4x128xf32>
    %jit3A_640 = arith.constant 3.000000e+38 : f32
    %broadcast_in_dim3A_641 = vector.broadcast %jit3A_640 : f32 to vector<4x128xf32>
    %select_n3A_642 = arith.select %eq3A_639, %get3A_4, %broadcast_in_dim3A_641 : vector<4x128xi1>, vector<4x128xf32>
    %reduce_min3A_643 = vector.shape_cast %select_n3A_642 : vector<4x128xf32> to vector<1x4x128xf32>
    %reduce_min3A_644 = arith.constant dense<0x7F800000> : vector<1xf32>
    %reduce_min3A_645 = vector.multi_reduction <minimumf>, %reduce_min3A_643, %reduce_min3A_644 [1, 2] : vector<1x4x128xf32> to vector<1xf32>
    %reduce_min3A_646 = vector.shape_cast %reduce_min3A_645 : vector<1xf32> to vector<1x1x1xf32>
    %reduce_min3A_647 = vector.extract %reduce_min3A_646[0, 0, 0] : f32 from vector<1x1x1xf32>
    %eq3A_648 = vector.broadcast %reduce_min3A_647 : f32 to vector<4x128xf32>
    %eq3A_649 = arith.cmpf oeq, %get3A_4, %eq3A_648 : vector<4x128xf32>
    %eq3A_650 = arith.constant 10 : i32
    %eq3A_651 = vector.broadcast %eq3A_650 : i32 to vector<16x1xi32>
    %eq3A_652 = arith.cmpi eq, %iota3A, %eq3A_651 : vector<16x1xi32>
    %jit3A_653 = arith.constant 0.000000e+00 : f32
    %broadcast_in_dim3A_654 = vector.broadcast %jit3A_653 : f32 to vector<4x128xf32>
    %select_n3A_655 = arith.select %eq3A_649, %get3A_7, %broadcast_in_dim3A_654 : vector<4x128xi1>, vector<4x128xf32>
    %reduce_sum3A_656 = vector.shape_cast %select_n3A_655 : vector<4x128xf32> to vector<1x4x128xf32>
    %reduce_sum3A_657 = arith.constant dense<0.000000e+00> : vector<1xf32>
    %reduce_sum3A_658 = vector.multi_reduction <add>, %reduce_sum3A_656, %reduce_sum3A_657 [1, 2] : vector<1x4x128xf32> to vector<1xf32>
    %reduce_sum3A_659 = vector.shape_cast %reduce_sum3A_658 : vector<1xf32> to vector<1x1x1xf32>
    %reduce_sum3A_660 = vector.extract %reduce_sum3A_659[0, 0, 0] : f32 from vector<1x1x1xf32>
    %jit3A_661 = arith.constant 0.000000e+00 : f32
    %broadcast_in_dim3A_662 = vector.broadcast %reduce_sum3A_660 : f32 to vector<16x1xf32>
    %broadcast_in_dim3A_663 = vector.broadcast %jit3A_661 : f32 to vector<16x1xf32>
    %select_n3A_664 = arith.select %eq3A_652, %broadcast_in_dim3A_662, %broadcast_in_dim3A_663 : vector<16x1xi1>, vector<16x1xf32>
    %add3A_665 = arith.addf %add3A_603, %select_n3A_664 : vector<16x1xf32>
    %jit3A_666 = arith.constant 0.000000e+00 : f32
    %broadcast_in_dim3A_667 = vector.broadcast %jit3A_666 : f32 to vector<4x128xf32>
    %select_n3A_668 = arith.select %eq3A_649, %get3A_10, %broadcast_in_dim3A_667 : vector<4x128xi1>, vector<4x128xf32>
    %reduce_sum3A_669 = vector.shape_cast %select_n3A_668 : vector<4x128xf32> to vector<1x4x128xf32>
    %reduce_sum3A_670 = arith.constant dense<0.000000e+00> : vector<1xf32>
    %reduce_sum3A_671 = vector.multi_reduction <add>, %reduce_sum3A_669, %reduce_sum3A_670 [1, 2] : vector<1x4x128xf32> to vector<1xf32>
    %reduce_sum3A_672 = vector.shape_cast %reduce_sum3A_671 : vector<1xf32> to vector<1x1x1xf32>
    %reduce_sum3A_673 = vector.extract %reduce_sum3A_672[0, 0, 0] : f32 from vector<1x1x1xf32>
    %jit3A_674 = arith.constant 0.000000e+00 : f32
    %broadcast_in_dim3A_675 = vector.broadcast %reduce_sum3A_673 : f32 to vector<16x1xf32>
    %broadcast_in_dim3A_676 = vector.broadcast %jit3A_674 : f32 to vector<16x1xf32>
    %select_n3A_677 = arith.select %eq3A_652, %broadcast_in_dim3A_675, %broadcast_in_dim3A_676 : vector<16x1xi1>, vector<16x1xf32>
    %add3A_678 = arith.addf %add3A_616, %select_n3A_677 : vector<16x1xf32>
    %jit3A_679 = arith.constant 0.000000e+00 : f32
    %broadcast_in_dim3A_680 = vector.broadcast %jit3A_679 : f32 to vector<4x128xf32>
    %select_n3A_681 = arith.select %eq3A_649, %get3A_13, %broadcast_in_dim3A_680 : vector<4x128xi1>, vector<4x128xf32>
    %reduce_sum3A_682 = vector.shape_cast %select_n3A_681 : vector<4x128xf32> to vector<1x4x128xf32>
    %reduce_sum3A_683 = arith.constant dense<0.000000e+00> : vector<1xf32>
    %reduce_sum3A_684 = vector.multi_reduction <add>, %reduce_sum3A_682, %reduce_sum3A_683 [1, 2] : vector<1x4x128xf32> to vector<1xf32>
    %reduce_sum3A_685 = vector.shape_cast %reduce_sum3A_684 : vector<1xf32> to vector<1x1x1xf32>
    %reduce_sum3A_686 = vector.extract %reduce_sum3A_685[0, 0, 0] : f32 from vector<1x1x1xf32>
    %jit3A_687 = arith.constant 0.000000e+00 : f32
    %broadcast_in_dim3A_688 = vector.broadcast %reduce_sum3A_686 : f32 to vector<16x1xf32>
    %broadcast_in_dim3A_689 = vector.broadcast %jit3A_687 : f32 to vector<16x1xf32>
    %select_n3A_690 = arith.select %eq3A_652, %broadcast_in_dim3A_688, %broadcast_in_dim3A_689 : vector<16x1xi1>, vector<16x1xf32>
    %add3A_691 = arith.addf %add3A_629, %select_n3A_690 : vector<16x1xf32>
    %jit3A_692 = arith.constant 3.000000e+38 : f32
    %broadcast_in_dim3A_693 = vector.broadcast %jit3A_692 : f32 to vector<4x128xf32>
    %select_n3A_694 = arith.select %eq3A_649, %broadcast_in_dim3A_693, %select_n3A_632 : vector<4x128xi1>, vector<4x128xf32>
    %reduce_min3A_695 = vector.shape_cast %select_n3A_694 : vector<4x128xf32> to vector<1x4x128xf32>
    %reduce_min3A_696 = arith.constant dense<0x7F800000> : vector<1xf32>
    %reduce_min3A_697 = vector.multi_reduction <minimumf>, %reduce_min3A_695, %reduce_min3A_696 [1, 2] : vector<1x4x128xf32> to vector<1xf32>
    %reduce_min3A_698 = vector.shape_cast %reduce_min3A_697 : vector<1xf32> to vector<1x1x1xf32>
    %reduce_min3A_699 = vector.extract %reduce_min3A_698[0, 0, 0] : f32 from vector<1x1x1xf32>
    %eq3A_700 = vector.broadcast %reduce_min3A_699 : f32 to vector<4x128xf32>
    %eq3A_701 = arith.cmpf oeq, %select_n3A_694, %eq3A_700 : vector<4x128xf32>
    %jit3A_702 = arith.constant 3.000000e+38 : f32
    %broadcast_in_dim3A_703 = vector.broadcast %jit3A_702 : f32 to vector<4x128xf32>
    %select_n3A_704 = arith.select %eq3A_701, %get3A_4, %broadcast_in_dim3A_703 : vector<4x128xi1>, vector<4x128xf32>
    %reduce_min3A_705 = vector.shape_cast %select_n3A_704 : vector<4x128xf32> to vector<1x4x128xf32>
    %reduce_min3A_706 = arith.constant dense<0x7F800000> : vector<1xf32>
    %reduce_min3A_707 = vector.multi_reduction <minimumf>, %reduce_min3A_705, %reduce_min3A_706 [1, 2] : vector<1x4x128xf32> to vector<1xf32>
    %reduce_min3A_708 = vector.shape_cast %reduce_min3A_707 : vector<1xf32> to vector<1x1x1xf32>
    %reduce_min3A_709 = vector.extract %reduce_min3A_708[0, 0, 0] : f32 from vector<1x1x1xf32>
    %eq3A_710 = vector.broadcast %reduce_min3A_709 : f32 to vector<4x128xf32>
    %eq3A_711 = arith.cmpf oeq, %get3A_4, %eq3A_710 : vector<4x128xf32>
    %eq3A_712 = arith.constant 11 : i32
    %eq3A_713 = vector.broadcast %eq3A_712 : i32 to vector<16x1xi32>
    %eq3A_714 = arith.cmpi eq, %iota3A, %eq3A_713 : vector<16x1xi32>
    %jit3A_715 = arith.constant 0.000000e+00 : f32
    %broadcast_in_dim3A_716 = vector.broadcast %jit3A_715 : f32 to vector<4x128xf32>
    %select_n3A_717 = arith.select %eq3A_711, %get3A_7, %broadcast_in_dim3A_716 : vector<4x128xi1>, vector<4x128xf32>
    %reduce_sum3A_718 = vector.shape_cast %select_n3A_717 : vector<4x128xf32> to vector<1x4x128xf32>
    %reduce_sum3A_719 = arith.constant dense<0.000000e+00> : vector<1xf32>
    %reduce_sum3A_720 = vector.multi_reduction <add>, %reduce_sum3A_718, %reduce_sum3A_719 [1, 2] : vector<1x4x128xf32> to vector<1xf32>
    %reduce_sum3A_721 = vector.shape_cast %reduce_sum3A_720 : vector<1xf32> to vector<1x1x1xf32>
    %reduce_sum3A_722 = vector.extract %reduce_sum3A_721[0, 0, 0] : f32 from vector<1x1x1xf32>
    %jit3A_723 = arith.constant 0.000000e+00 : f32
    %broadcast_in_dim3A_724 = vector.broadcast %reduce_sum3A_722 : f32 to vector<16x1xf32>
    %broadcast_in_dim3A_725 = vector.broadcast %jit3A_723 : f32 to vector<16x1xf32>
    %select_n3A_726 = arith.select %eq3A_714, %broadcast_in_dim3A_724, %broadcast_in_dim3A_725 : vector<16x1xi1>, vector<16x1xf32>
    %add3A_727 = arith.addf %add3A_665, %select_n3A_726 : vector<16x1xf32>
    %jit3A_728 = arith.constant 0.000000e+00 : f32
    %broadcast_in_dim3A_729 = vector.broadcast %jit3A_728 : f32 to vector<4x128xf32>
    %select_n3A_730 = arith.select %eq3A_711, %get3A_10, %broadcast_in_dim3A_729 : vector<4x128xi1>, vector<4x128xf32>
    %reduce_sum3A_731 = vector.shape_cast %select_n3A_730 : vector<4x128xf32> to vector<1x4x128xf32>
    %reduce_sum3A_732 = arith.constant dense<0.000000e+00> : vector<1xf32>
    %reduce_sum3A_733 = vector.multi_reduction <add>, %reduce_sum3A_731, %reduce_sum3A_732 [1, 2] : vector<1x4x128xf32> to vector<1xf32>
    %reduce_sum3A_734 = vector.shape_cast %reduce_sum3A_733 : vector<1xf32> to vector<1x1x1xf32>
    %reduce_sum3A_735 = vector.extract %reduce_sum3A_734[0, 0, 0] : f32 from vector<1x1x1xf32>
    %jit3A_736 = arith.constant 0.000000e+00 : f32
    %broadcast_in_dim3A_737 = vector.broadcast %reduce_sum3A_735 : f32 to vector<16x1xf32>
    %broadcast_in_dim3A_738 = vector.broadcast %jit3A_736 : f32 to vector<16x1xf32>
    %select_n3A_739 = arith.select %eq3A_714, %broadcast_in_dim3A_737, %broadcast_in_dim3A_738 : vector<16x1xi1>, vector<16x1xf32>
    %add3A_740 = arith.addf %add3A_678, %select_n3A_739 : vector<16x1xf32>
    %jit3A_741 = arith.constant 0.000000e+00 : f32
    %broadcast_in_dim3A_742 = vector.broadcast %jit3A_741 : f32 to vector<4x128xf32>
    %select_n3A_743 = arith.select %eq3A_711, %get3A_13, %broadcast_in_dim3A_742 : vector<4x128xi1>, vector<4x128xf32>
    %reduce_sum3A_744 = vector.shape_cast %select_n3A_743 : vector<4x128xf32> to vector<1x4x128xf32>
    %reduce_sum3A_745 = arith.constant dense<0.000000e+00> : vector<1xf32>
    %reduce_sum3A_746 = vector.multi_reduction <add>, %reduce_sum3A_744, %reduce_sum3A_745 [1, 2] : vector<1x4x128xf32> to vector<1xf32>
    %reduce_sum3A_747 = vector.shape_cast %reduce_sum3A_746 : vector<1xf32> to vector<1x1x1xf32>
    %reduce_sum3A_748 = vector.extract %reduce_sum3A_747[0, 0, 0] : f32 from vector<1x1x1xf32>
    %jit3A_749 = arith.constant 0.000000e+00 : f32
    %broadcast_in_dim3A_750 = vector.broadcast %reduce_sum3A_748 : f32 to vector<16x1xf32>
    %broadcast_in_dim3A_751 = vector.broadcast %jit3A_749 : f32 to vector<16x1xf32>
    %select_n3A_752 = arith.select %eq3A_714, %broadcast_in_dim3A_750, %broadcast_in_dim3A_751 : vector<16x1xi1>, vector<16x1xf32>
    %add3A_753 = arith.addf %add3A_691, %select_n3A_752 : vector<16x1xf32>
    %jit3A_754 = arith.constant 3.000000e+38 : f32
    %broadcast_in_dim3A_755 = vector.broadcast %jit3A_754 : f32 to vector<4x128xf32>
    %select_n3A_756 = arith.select %eq3A_711, %broadcast_in_dim3A_755, %select_n3A_694 : vector<4x128xi1>, vector<4x128xf32>
    %reduce_min3A_757 = vector.shape_cast %select_n3A_756 : vector<4x128xf32> to vector<1x4x128xf32>
    %reduce_min3A_758 = arith.constant dense<0x7F800000> : vector<1xf32>
    %reduce_min3A_759 = vector.multi_reduction <minimumf>, %reduce_min3A_757, %reduce_min3A_758 [1, 2] : vector<1x4x128xf32> to vector<1xf32>
    %reduce_min3A_760 = vector.shape_cast %reduce_min3A_759 : vector<1xf32> to vector<1x1x1xf32>
    %reduce_min3A_761 = vector.extract %reduce_min3A_760[0, 0, 0] : f32 from vector<1x1x1xf32>
    %eq3A_762 = vector.broadcast %reduce_min3A_761 : f32 to vector<4x128xf32>
    %eq3A_763 = arith.cmpf oeq, %select_n3A_756, %eq3A_762 : vector<4x128xf32>
    %jit3A_764 = arith.constant 3.000000e+38 : f32
    %broadcast_in_dim3A_765 = vector.broadcast %jit3A_764 : f32 to vector<4x128xf32>
    %select_n3A_766 = arith.select %eq3A_763, %get3A_4, %broadcast_in_dim3A_765 : vector<4x128xi1>, vector<4x128xf32>
    %reduce_min3A_767 = vector.shape_cast %select_n3A_766 : vector<4x128xf32> to vector<1x4x128xf32>
    %reduce_min3A_768 = arith.constant dense<0x7F800000> : vector<1xf32>
    %reduce_min3A_769 = vector.multi_reduction <minimumf>, %reduce_min3A_767, %reduce_min3A_768 [1, 2] : vector<1x4x128xf32> to vector<1xf32>
    %reduce_min3A_770 = vector.shape_cast %reduce_min3A_769 : vector<1xf32> to vector<1x1x1xf32>
    %reduce_min3A_771 = vector.extract %reduce_min3A_770[0, 0, 0] : f32 from vector<1x1x1xf32>
    %eq3A_772 = vector.broadcast %reduce_min3A_771 : f32 to vector<4x128xf32>
    %eq3A_773 = arith.cmpf oeq, %get3A_4, %eq3A_772 : vector<4x128xf32>
    %eq3A_774 = arith.constant 12 : i32
    %eq3A_775 = vector.broadcast %eq3A_774 : i32 to vector<16x1xi32>
    %eq3A_776 = arith.cmpi eq, %iota3A, %eq3A_775 : vector<16x1xi32>
    %jit3A_777 = arith.constant 0.000000e+00 : f32
    %broadcast_in_dim3A_778 = vector.broadcast %jit3A_777 : f32 to vector<4x128xf32>
    %select_n3A_779 = arith.select %eq3A_773, %get3A_7, %broadcast_in_dim3A_778 : vector<4x128xi1>, vector<4x128xf32>
    %reduce_sum3A_780 = vector.shape_cast %select_n3A_779 : vector<4x128xf32> to vector<1x4x128xf32>
    %reduce_sum3A_781 = arith.constant dense<0.000000e+00> : vector<1xf32>
    %reduce_sum3A_782 = vector.multi_reduction <add>, %reduce_sum3A_780, %reduce_sum3A_781 [1, 2] : vector<1x4x128xf32> to vector<1xf32>
    %reduce_sum3A_783 = vector.shape_cast %reduce_sum3A_782 : vector<1xf32> to vector<1x1x1xf32>
    %reduce_sum3A_784 = vector.extract %reduce_sum3A_783[0, 0, 0] : f32 from vector<1x1x1xf32>
    %jit3A_785 = arith.constant 0.000000e+00 : f32
    %broadcast_in_dim3A_786 = vector.broadcast %reduce_sum3A_784 : f32 to vector<16x1xf32>
    %broadcast_in_dim3A_787 = vector.broadcast %jit3A_785 : f32 to vector<16x1xf32>
    %select_n3A_788 = arith.select %eq3A_776, %broadcast_in_dim3A_786, %broadcast_in_dim3A_787 : vector<16x1xi1>, vector<16x1xf32>
    %add3A_789 = arith.addf %add3A_727, %select_n3A_788 : vector<16x1xf32>
    %jit3A_790 = arith.constant 0.000000e+00 : f32
    %broadcast_in_dim3A_791 = vector.broadcast %jit3A_790 : f32 to vector<4x128xf32>
    %select_n3A_792 = arith.select %eq3A_773, %get3A_10, %broadcast_in_dim3A_791 : vector<4x128xi1>, vector<4x128xf32>
    %reduce_sum3A_793 = vector.shape_cast %select_n3A_792 : vector<4x128xf32> to vector<1x4x128xf32>
    %reduce_sum3A_794 = arith.constant dense<0.000000e+00> : vector<1xf32>
    %reduce_sum3A_795 = vector.multi_reduction <add>, %reduce_sum3A_793, %reduce_sum3A_794 [1, 2] : vector<1x4x128xf32> to vector<1xf32>
    %reduce_sum3A_796 = vector.shape_cast %reduce_sum3A_795 : vector<1xf32> to vector<1x1x1xf32>
    %reduce_sum3A_797 = vector.extract %reduce_sum3A_796[0, 0, 0] : f32 from vector<1x1x1xf32>
    %jit3A_798 = arith.constant 0.000000e+00 : f32
    %broadcast_in_dim3A_799 = vector.broadcast %reduce_sum3A_797 : f32 to vector<16x1xf32>
    %broadcast_in_dim3A_800 = vector.broadcast %jit3A_798 : f32 to vector<16x1xf32>
    %select_n3A_801 = arith.select %eq3A_776, %broadcast_in_dim3A_799, %broadcast_in_dim3A_800 : vector<16x1xi1>, vector<16x1xf32>
    %add3A_802 = arith.addf %add3A_740, %select_n3A_801 : vector<16x1xf32>
    %jit3A_803 = arith.constant 0.000000e+00 : f32
    %broadcast_in_dim3A_804 = vector.broadcast %jit3A_803 : f32 to vector<4x128xf32>
    %select_n3A_805 = arith.select %eq3A_773, %get3A_13, %broadcast_in_dim3A_804 : vector<4x128xi1>, vector<4x128xf32>
    %reduce_sum3A_806 = vector.shape_cast %select_n3A_805 : vector<4x128xf32> to vector<1x4x128xf32>
    %reduce_sum3A_807 = arith.constant dense<0.000000e+00> : vector<1xf32>
    %reduce_sum3A_808 = vector.multi_reduction <add>, %reduce_sum3A_806, %reduce_sum3A_807 [1, 2] : vector<1x4x128xf32> to vector<1xf32>
    %reduce_sum3A_809 = vector.shape_cast %reduce_sum3A_808 : vector<1xf32> to vector<1x1x1xf32>
    %reduce_sum3A_810 = vector.extract %reduce_sum3A_809[0, 0, 0] : f32 from vector<1x1x1xf32>
    %jit3A_811 = arith.constant 0.000000e+00 : f32
    %broadcast_in_dim3A_812 = vector.broadcast %reduce_sum3A_810 : f32 to vector<16x1xf32>
    %broadcast_in_dim3A_813 = vector.broadcast %jit3A_811 : f32 to vector<16x1xf32>
    %select_n3A_814 = arith.select %eq3A_776, %broadcast_in_dim3A_812, %broadcast_in_dim3A_813 : vector<16x1xi1>, vector<16x1xf32>
    %add3A_815 = arith.addf %add3A_753, %select_n3A_814 : vector<16x1xf32>
    %jit3A_816 = arith.constant 3.000000e+38 : f32
    %broadcast_in_dim3A_817 = vector.broadcast %jit3A_816 : f32 to vector<4x128xf32>
    %select_n3A_818 = arith.select %eq3A_773, %broadcast_in_dim3A_817, %select_n3A_756 : vector<4x128xi1>, vector<4x128xf32>
    %reduce_min3A_819 = vector.shape_cast %select_n3A_818 : vector<4x128xf32> to vector<1x4x128xf32>
    %reduce_min3A_820 = arith.constant dense<0x7F800000> : vector<1xf32>
    %reduce_min3A_821 = vector.multi_reduction <minimumf>, %reduce_min3A_819, %reduce_min3A_820 [1, 2] : vector<1x4x128xf32> to vector<1xf32>
    %reduce_min3A_822 = vector.shape_cast %reduce_min3A_821 : vector<1xf32> to vector<1x1x1xf32>
    %reduce_min3A_823 = vector.extract %reduce_min3A_822[0, 0, 0] : f32 from vector<1x1x1xf32>
    %eq3A_824 = vector.broadcast %reduce_min3A_823 : f32 to vector<4x128xf32>
    %eq3A_825 = arith.cmpf oeq, %select_n3A_818, %eq3A_824 : vector<4x128xf32>
    %jit3A_826 = arith.constant 3.000000e+38 : f32
    %broadcast_in_dim3A_827 = vector.broadcast %jit3A_826 : f32 to vector<4x128xf32>
    %select_n3A_828 = arith.select %eq3A_825, %get3A_4, %broadcast_in_dim3A_827 : vector<4x128xi1>, vector<4x128xf32>
    %reduce_min3A_829 = vector.shape_cast %select_n3A_828 : vector<4x128xf32> to vector<1x4x128xf32>
    %reduce_min3A_830 = arith.constant dense<0x7F800000> : vector<1xf32>
    %reduce_min3A_831 = vector.multi_reduction <minimumf>, %reduce_min3A_829, %reduce_min3A_830 [1, 2] : vector<1x4x128xf32> to vector<1xf32>
    %reduce_min3A_832 = vector.shape_cast %reduce_min3A_831 : vector<1xf32> to vector<1x1x1xf32>
    %reduce_min3A_833 = vector.extract %reduce_min3A_832[0, 0, 0] : f32 from vector<1x1x1xf32>
    %eq3A_834 = vector.broadcast %reduce_min3A_833 : f32 to vector<4x128xf32>
    %eq3A_835 = arith.cmpf oeq, %get3A_4, %eq3A_834 : vector<4x128xf32>
    %eq3A_836 = arith.constant 13 : i32
    %eq3A_837 = vector.broadcast %eq3A_836 : i32 to vector<16x1xi32>
    %eq3A_838 = arith.cmpi eq, %iota3A, %eq3A_837 : vector<16x1xi32>
    %jit3A_839 = arith.constant 0.000000e+00 : f32
    %broadcast_in_dim3A_840 = vector.broadcast %jit3A_839 : f32 to vector<4x128xf32>
    %select_n3A_841 = arith.select %eq3A_835, %get3A_7, %broadcast_in_dim3A_840 : vector<4x128xi1>, vector<4x128xf32>
    %reduce_sum3A_842 = vector.shape_cast %select_n3A_841 : vector<4x128xf32> to vector<1x4x128xf32>
    %reduce_sum3A_843 = arith.constant dense<0.000000e+00> : vector<1xf32>
    %reduce_sum3A_844 = vector.multi_reduction <add>, %reduce_sum3A_842, %reduce_sum3A_843 [1, 2] : vector<1x4x128xf32> to vector<1xf32>
    %reduce_sum3A_845 = vector.shape_cast %reduce_sum3A_844 : vector<1xf32> to vector<1x1x1xf32>
    %reduce_sum3A_846 = vector.extract %reduce_sum3A_845[0, 0, 0] : f32 from vector<1x1x1xf32>
    %jit3A_847 = arith.constant 0.000000e+00 : f32
    %broadcast_in_dim3A_848 = vector.broadcast %reduce_sum3A_846 : f32 to vector<16x1xf32>
    %broadcast_in_dim3A_849 = vector.broadcast %jit3A_847 : f32 to vector<16x1xf32>
    %select_n3A_850 = arith.select %eq3A_838, %broadcast_in_dim3A_848, %broadcast_in_dim3A_849 : vector<16x1xi1>, vector<16x1xf32>
    %add3A_851 = arith.addf %add3A_789, %select_n3A_850 : vector<16x1xf32>
    %jit3A_852 = arith.constant 0.000000e+00 : f32
    %broadcast_in_dim3A_853 = vector.broadcast %jit3A_852 : f32 to vector<4x128xf32>
    %select_n3A_854 = arith.select %eq3A_835, %get3A_10, %broadcast_in_dim3A_853 : vector<4x128xi1>, vector<4x128xf32>
    %reduce_sum3A_855 = vector.shape_cast %select_n3A_854 : vector<4x128xf32> to vector<1x4x128xf32>
    %reduce_sum3A_856 = arith.constant dense<0.000000e+00> : vector<1xf32>
    %reduce_sum3A_857 = vector.multi_reduction <add>, %reduce_sum3A_855, %reduce_sum3A_856 [1, 2] : vector<1x4x128xf32> to vector<1xf32>
    %reduce_sum3A_858 = vector.shape_cast %reduce_sum3A_857 : vector<1xf32> to vector<1x1x1xf32>
    %reduce_sum3A_859 = vector.extract %reduce_sum3A_858[0, 0, 0] : f32 from vector<1x1x1xf32>
    %jit3A_860 = arith.constant 0.000000e+00 : f32
    %broadcast_in_dim3A_861 = vector.broadcast %reduce_sum3A_859 : f32 to vector<16x1xf32>
    %broadcast_in_dim3A_862 = vector.broadcast %jit3A_860 : f32 to vector<16x1xf32>
    %select_n3A_863 = arith.select %eq3A_838, %broadcast_in_dim3A_861, %broadcast_in_dim3A_862 : vector<16x1xi1>, vector<16x1xf32>
    %add3A_864 = arith.addf %add3A_802, %select_n3A_863 : vector<16x1xf32>
    %jit3A_865 = arith.constant 0.000000e+00 : f32
    %broadcast_in_dim3A_866 = vector.broadcast %jit3A_865 : f32 to vector<4x128xf32>
    %select_n3A_867 = arith.select %eq3A_835, %get3A_13, %broadcast_in_dim3A_866 : vector<4x128xi1>, vector<4x128xf32>
    %reduce_sum3A_868 = vector.shape_cast %select_n3A_867 : vector<4x128xf32> to vector<1x4x128xf32>
    %reduce_sum3A_869 = arith.constant dense<0.000000e+00> : vector<1xf32>
    %reduce_sum3A_870 = vector.multi_reduction <add>, %reduce_sum3A_868, %reduce_sum3A_869 [1, 2] : vector<1x4x128xf32> to vector<1xf32>
    %reduce_sum3A_871 = vector.shape_cast %reduce_sum3A_870 : vector<1xf32> to vector<1x1x1xf32>
    %reduce_sum3A_872 = vector.extract %reduce_sum3A_871[0, 0, 0] : f32 from vector<1x1x1xf32>
    %jit3A_873 = arith.constant 0.000000e+00 : f32
    %broadcast_in_dim3A_874 = vector.broadcast %reduce_sum3A_872 : f32 to vector<16x1xf32>
    %broadcast_in_dim3A_875 = vector.broadcast %jit3A_873 : f32 to vector<16x1xf32>
    %select_n3A_876 = arith.select %eq3A_838, %broadcast_in_dim3A_874, %broadcast_in_dim3A_875 : vector<16x1xi1>, vector<16x1xf32>
    %add3A_877 = arith.addf %add3A_815, %select_n3A_876 : vector<16x1xf32>
    %jit3A_878 = arith.constant 3.000000e+38 : f32
    %broadcast_in_dim3A_879 = vector.broadcast %jit3A_878 : f32 to vector<4x128xf32>
    %select_n3A_880 = arith.select %eq3A_835, %broadcast_in_dim3A_879, %select_n3A_818 : vector<4x128xi1>, vector<4x128xf32>
    %reduce_min3A_881 = vector.shape_cast %select_n3A_880 : vector<4x128xf32> to vector<1x4x128xf32>
    %reduce_min3A_882 = arith.constant dense<0x7F800000> : vector<1xf32>
    %reduce_min3A_883 = vector.multi_reduction <minimumf>, %reduce_min3A_881, %reduce_min3A_882 [1, 2] : vector<1x4x128xf32> to vector<1xf32>
    %reduce_min3A_884 = vector.shape_cast %reduce_min3A_883 : vector<1xf32> to vector<1x1x1xf32>
    %reduce_min3A_885 = vector.extract %reduce_min3A_884[0, 0, 0] : f32 from vector<1x1x1xf32>
    %eq3A_886 = vector.broadcast %reduce_min3A_885 : f32 to vector<4x128xf32>
    %eq3A_887 = arith.cmpf oeq, %select_n3A_880, %eq3A_886 : vector<4x128xf32>
    %jit3A_888 = arith.constant 3.000000e+38 : f32
    %broadcast_in_dim3A_889 = vector.broadcast %jit3A_888 : f32 to vector<4x128xf32>
    %select_n3A_890 = arith.select %eq3A_887, %get3A_4, %broadcast_in_dim3A_889 : vector<4x128xi1>, vector<4x128xf32>
    %reduce_min3A_891 = vector.shape_cast %select_n3A_890 : vector<4x128xf32> to vector<1x4x128xf32>
    %reduce_min3A_892 = arith.constant dense<0x7F800000> : vector<1xf32>
    %reduce_min3A_893 = vector.multi_reduction <minimumf>, %reduce_min3A_891, %reduce_min3A_892 [1, 2] : vector<1x4x128xf32> to vector<1xf32>
    %reduce_min3A_894 = vector.shape_cast %reduce_min3A_893 : vector<1xf32> to vector<1x1x1xf32>
    %reduce_min3A_895 = vector.extract %reduce_min3A_894[0, 0, 0] : f32 from vector<1x1x1xf32>
    %eq3A_896 = vector.broadcast %reduce_min3A_895 : f32 to vector<4x128xf32>
    %eq3A_897 = arith.cmpf oeq, %get3A_4, %eq3A_896 : vector<4x128xf32>
    %eq3A_898 = arith.constant 14 : i32
    %eq3A_899 = vector.broadcast %eq3A_898 : i32 to vector<16x1xi32>
    %eq3A_900 = arith.cmpi eq, %iota3A, %eq3A_899 : vector<16x1xi32>
    %jit3A_901 = arith.constant 0.000000e+00 : f32
    %broadcast_in_dim3A_902 = vector.broadcast %jit3A_901 : f32 to vector<4x128xf32>
    %select_n3A_903 = arith.select %eq3A_897, %get3A_7, %broadcast_in_dim3A_902 : vector<4x128xi1>, vector<4x128xf32>
    %reduce_sum3A_904 = vector.shape_cast %select_n3A_903 : vector<4x128xf32> to vector<1x4x128xf32>
    %reduce_sum3A_905 = arith.constant dense<0.000000e+00> : vector<1xf32>
    %reduce_sum3A_906 = vector.multi_reduction <add>, %reduce_sum3A_904, %reduce_sum3A_905 [1, 2] : vector<1x4x128xf32> to vector<1xf32>
    %reduce_sum3A_907 = vector.shape_cast %reduce_sum3A_906 : vector<1xf32> to vector<1x1x1xf32>
    %reduce_sum3A_908 = vector.extract %reduce_sum3A_907[0, 0, 0] : f32 from vector<1x1x1xf32>
    %jit3A_909 = arith.constant 0.000000e+00 : f32
    %broadcast_in_dim3A_910 = vector.broadcast %reduce_sum3A_908 : f32 to vector<16x1xf32>
    %broadcast_in_dim3A_911 = vector.broadcast %jit3A_909 : f32 to vector<16x1xf32>
    %select_n3A_912 = arith.select %eq3A_900, %broadcast_in_dim3A_910, %broadcast_in_dim3A_911 : vector<16x1xi1>, vector<16x1xf32>
    %add3A_913 = arith.addf %add3A_851, %select_n3A_912 : vector<16x1xf32>
    %jit3A_914 = arith.constant 0.000000e+00 : f32
    %broadcast_in_dim3A_915 = vector.broadcast %jit3A_914 : f32 to vector<4x128xf32>
    %select_n3A_916 = arith.select %eq3A_897, %get3A_10, %broadcast_in_dim3A_915 : vector<4x128xi1>, vector<4x128xf32>
    %reduce_sum3A_917 = vector.shape_cast %select_n3A_916 : vector<4x128xf32> to vector<1x4x128xf32>
    %reduce_sum3A_918 = arith.constant dense<0.000000e+00> : vector<1xf32>
    %reduce_sum3A_919 = vector.multi_reduction <add>, %reduce_sum3A_917, %reduce_sum3A_918 [1, 2] : vector<1x4x128xf32> to vector<1xf32>
    %reduce_sum3A_920 = vector.shape_cast %reduce_sum3A_919 : vector<1xf32> to vector<1x1x1xf32>
    %reduce_sum3A_921 = vector.extract %reduce_sum3A_920[0, 0, 0] : f32 from vector<1x1x1xf32>
    %jit3A_922 = arith.constant 0.000000e+00 : f32
    %broadcast_in_dim3A_923 = vector.broadcast %reduce_sum3A_921 : f32 to vector<16x1xf32>
    %broadcast_in_dim3A_924 = vector.broadcast %jit3A_922 : f32 to vector<16x1xf32>
    %select_n3A_925 = arith.select %eq3A_900, %broadcast_in_dim3A_923, %broadcast_in_dim3A_924 : vector<16x1xi1>, vector<16x1xf32>
    %add3A_926 = arith.addf %add3A_864, %select_n3A_925 : vector<16x1xf32>
    %jit3A_927 = arith.constant 0.000000e+00 : f32
    %broadcast_in_dim3A_928 = vector.broadcast %jit3A_927 : f32 to vector<4x128xf32>
    %select_n3A_929 = arith.select %eq3A_897, %get3A_13, %broadcast_in_dim3A_928 : vector<4x128xi1>, vector<4x128xf32>
    %reduce_sum3A_930 = vector.shape_cast %select_n3A_929 : vector<4x128xf32> to vector<1x4x128xf32>
    %reduce_sum3A_931 = arith.constant dense<0.000000e+00> : vector<1xf32>
    %reduce_sum3A_932 = vector.multi_reduction <add>, %reduce_sum3A_930, %reduce_sum3A_931 [1, 2] : vector<1x4x128xf32> to vector<1xf32>
    %reduce_sum3A_933 = vector.shape_cast %reduce_sum3A_932 : vector<1xf32> to vector<1x1x1xf32>
    %reduce_sum3A_934 = vector.extract %reduce_sum3A_933[0, 0, 0] : f32 from vector<1x1x1xf32>
    %jit3A_935 = arith.constant 0.000000e+00 : f32
    %broadcast_in_dim3A_936 = vector.broadcast %reduce_sum3A_934 : f32 to vector<16x1xf32>
    %broadcast_in_dim3A_937 = vector.broadcast %jit3A_935 : f32 to vector<16x1xf32>
    %select_n3A_938 = arith.select %eq3A_900, %broadcast_in_dim3A_936, %broadcast_in_dim3A_937 : vector<16x1xi1>, vector<16x1xf32>
    %add3A_939 = arith.addf %add3A_877, %select_n3A_938 : vector<16x1xf32>
    %jit3A_940 = arith.constant 3.000000e+38 : f32
    %broadcast_in_dim3A_941 = vector.broadcast %jit3A_940 : f32 to vector<4x128xf32>
    %select_n3A_942 = arith.select %eq3A_897, %broadcast_in_dim3A_941, %select_n3A_880 : vector<4x128xi1>, vector<4x128xf32>
    %reduce_min3A_943 = vector.shape_cast %select_n3A_942 : vector<4x128xf32> to vector<1x4x128xf32>
    %reduce_min3A_944 = arith.constant dense<0x7F800000> : vector<1xf32>
    %reduce_min3A_945 = vector.multi_reduction <minimumf>, %reduce_min3A_943, %reduce_min3A_944 [1, 2] : vector<1x4x128xf32> to vector<1xf32>
    %reduce_min3A_946 = vector.shape_cast %reduce_min3A_945 : vector<1xf32> to vector<1x1x1xf32>
    %reduce_min3A_947 = vector.extract %reduce_min3A_946[0, 0, 0] : f32 from vector<1x1x1xf32>
    %eq3A_948 = vector.broadcast %reduce_min3A_947 : f32 to vector<4x128xf32>
    %eq3A_949 = arith.cmpf oeq, %select_n3A_942, %eq3A_948 : vector<4x128xf32>
    %jit3A_950 = arith.constant 3.000000e+38 : f32
    %broadcast_in_dim3A_951 = vector.broadcast %jit3A_950 : f32 to vector<4x128xf32>
    %select_n3A_952 = arith.select %eq3A_949, %get3A_4, %broadcast_in_dim3A_951 : vector<4x128xi1>, vector<4x128xf32>
    %reduce_min3A_953 = vector.shape_cast %select_n3A_952 : vector<4x128xf32> to vector<1x4x128xf32>
    %reduce_min3A_954 = arith.constant dense<0x7F800000> : vector<1xf32>
    %reduce_min3A_955 = vector.multi_reduction <minimumf>, %reduce_min3A_953, %reduce_min3A_954 [1, 2] : vector<1x4x128xf32> to vector<1xf32>
    %reduce_min3A_956 = vector.shape_cast %reduce_min3A_955 : vector<1xf32> to vector<1x1x1xf32>
    %reduce_min3A_957 = vector.extract %reduce_min3A_956[0, 0, 0] : f32 from vector<1x1x1xf32>
    %eq3A_958 = vector.broadcast %reduce_min3A_957 : f32 to vector<4x128xf32>
    %eq3A_959 = arith.cmpf oeq, %get3A_4, %eq3A_958 : vector<4x128xf32>
    %eq3A_960 = arith.constant 15 : i32
    %eq3A_961 = vector.broadcast %eq3A_960 : i32 to vector<16x1xi32>
    %eq3A_962 = arith.cmpi eq, %iota3A, %eq3A_961 : vector<16x1xi32>
    %jit3A_963 = arith.constant 0.000000e+00 : f32
    %broadcast_in_dim3A_964 = vector.broadcast %jit3A_963 : f32 to vector<4x128xf32>
    %select_n3A_965 = arith.select %eq3A_959, %get3A_7, %broadcast_in_dim3A_964 : vector<4x128xi1>, vector<4x128xf32>
    %reduce_sum3A_966 = vector.shape_cast %select_n3A_965 : vector<4x128xf32> to vector<1x4x128xf32>
    %reduce_sum3A_967 = arith.constant dense<0.000000e+00> : vector<1xf32>
    %reduce_sum3A_968 = vector.multi_reduction <add>, %reduce_sum3A_966, %reduce_sum3A_967 [1, 2] : vector<1x4x128xf32> to vector<1xf32>
    %reduce_sum3A_969 = vector.shape_cast %reduce_sum3A_968 : vector<1xf32> to vector<1x1x1xf32>
    %reduce_sum3A_970 = vector.extract %reduce_sum3A_969[0, 0, 0] : f32 from vector<1x1x1xf32>
    %jit3A_971 = arith.constant 0.000000e+00 : f32
    %broadcast_in_dim3A_972 = vector.broadcast %reduce_sum3A_970 : f32 to vector<16x1xf32>
    %broadcast_in_dim3A_973 = vector.broadcast %jit3A_971 : f32 to vector<16x1xf32>
    %select_n3A_974 = arith.select %eq3A_962, %broadcast_in_dim3A_972, %broadcast_in_dim3A_973 : vector<16x1xi1>, vector<16x1xf32>
    %add3A_975 = arith.addf %add3A_913, %select_n3A_974 : vector<16x1xf32>
    %jit3A_976 = arith.constant 0.000000e+00 : f32
    %broadcast_in_dim3A_977 = vector.broadcast %jit3A_976 : f32 to vector<4x128xf32>
    %select_n3A_978 = arith.select %eq3A_959, %get3A_10, %broadcast_in_dim3A_977 : vector<4x128xi1>, vector<4x128xf32>
    %reduce_sum3A_979 = vector.shape_cast %select_n3A_978 : vector<4x128xf32> to vector<1x4x128xf32>
    %reduce_sum3A_980 = arith.constant dense<0.000000e+00> : vector<1xf32>
    %reduce_sum3A_981 = vector.multi_reduction <add>, %reduce_sum3A_979, %reduce_sum3A_980 [1, 2] : vector<1x4x128xf32> to vector<1xf32>
    %reduce_sum3A_982 = vector.shape_cast %reduce_sum3A_981 : vector<1xf32> to vector<1x1x1xf32>
    %reduce_sum3A_983 = vector.extract %reduce_sum3A_982[0, 0, 0] : f32 from vector<1x1x1xf32>
    %jit3A_984 = arith.constant 0.000000e+00 : f32
    %broadcast_in_dim3A_985 = vector.broadcast %reduce_sum3A_983 : f32 to vector<16x1xf32>
    %broadcast_in_dim3A_986 = vector.broadcast %jit3A_984 : f32 to vector<16x1xf32>
    %select_n3A_987 = arith.select %eq3A_962, %broadcast_in_dim3A_985, %broadcast_in_dim3A_986 : vector<16x1xi1>, vector<16x1xf32>
    %add3A_988 = arith.addf %add3A_926, %select_n3A_987 : vector<16x1xf32>
    %jit3A_989 = arith.constant 0.000000e+00 : f32
    %broadcast_in_dim3A_990 = vector.broadcast %jit3A_989 : f32 to vector<4x128xf32>
    %select_n3A_991 = arith.select %eq3A_959, %get3A_13, %broadcast_in_dim3A_990 : vector<4x128xi1>, vector<4x128xf32>
    %reduce_sum3A_992 = vector.shape_cast %select_n3A_991 : vector<4x128xf32> to vector<1x4x128xf32>
    %reduce_sum3A_993 = arith.constant dense<0.000000e+00> : vector<1xf32>
    %reduce_sum3A_994 = vector.multi_reduction <add>, %reduce_sum3A_992, %reduce_sum3A_993 [1, 2] : vector<1x4x128xf32> to vector<1xf32>
    %reduce_sum3A_995 = vector.shape_cast %reduce_sum3A_994 : vector<1xf32> to vector<1x1x1xf32>
    %reduce_sum3A_996 = vector.extract %reduce_sum3A_995[0, 0, 0] : f32 from vector<1x1x1xf32>
    %jit3A_997 = arith.constant 0.000000e+00 : f32
    %broadcast_in_dim3A_998 = vector.broadcast %reduce_sum3A_996 : f32 to vector<16x1xf32>
    %broadcast_in_dim3A_999 = vector.broadcast %jit3A_997 : f32 to vector<16x1xf32>
    %select_n3A_1000 = arith.select %eq3A_962, %broadcast_in_dim3A_998, %broadcast_in_dim3A_999 : vector<16x1xi1>, vector<16x1xf32>
    %add3A_1001 = arith.addf %add3A_939, %select_n3A_1000 : vector<16x1xf32>
    %get3A_1002 = arith.constant 0 : index
    %get3A_1003 = arith.constant 0 : index
    %get3A_1004 = vector.load %arg1[%get3A_1002, %get3A_1003] : memref<1x3xf32, #tpu.memory_space<vmem>>, vector<1x3xf32>
    %get3A_1005 = arith.constant 0 : index
    %get3A_1006 = arith.constant 0 : index
    %get3A_1007 = vector.load %arg2[%get3A_1005, %get3A_1006] : memref<16x3xf32, #tpu.memory_space<vmem>>, vector<16x3xf32>
    %sub3A = vector.broadcast %get3A_1004 : vector<1x3xf32> to vector<16x3xf32>
    %sub3A_1008 = arith.subf %get3A_1007, %sub3A : vector<16x3xf32>
    %mul3A = arith.mulf %sub3A_1008, %sub3A_1008 : vector<16x3xf32>
    %reduce_sum3A_1009 = arith.constant dense<0.000000e+00> : vector<16xf32>
    %reduce_sum3A_1010 = vector.multi_reduction <add>, %mul3A, %reduce_sum3A_1009 [1] : vector<16x3xf32> to vector<16xf32>
    %broadcast_in_dim3A_1011 = vector.shape_cast %reduce_sum3A_1010 : vector<16xf32> to vector<16x1xf32>
    %sqrt3A_1012 = math.sqrt %broadcast_in_dim3A_1011 : vector<16x1xf32>
    %broadcast_in_dim3A_1013 = vector.shape_cast %get3A_1004 : vector<1x3xf32> to vector<1x3xf32>
    %broadcast_in_dim3A_1014 = vector.broadcast %broadcast_in_dim3A_1013 : vector<1x3xf32> to vector<16x3xf32>
    %concatenate3A = tpu.concatenate %broadcast_in_dim3A_1014, %get3A_1007, %sub3A_1008, %sqrt3A_1012 in 1 : vector<16x3xf32>, vector<16x3xf32>, vector<16x3xf32>, vector<16x1xf32> -> vector<16x10xf32>
    %get3A_1015 = arith.constant 0 : index
    %get3A_1016 = arith.constant 0 : index
    %get3A_1017 = vector.load %arg3[%get3A_1015, %get3A_1016] : memref<10x3xf32, #tpu.memory_space<vmem>>, vector<10x3xf32>
    %get3A_1018 = arith.constant 0 : index
    %get3A_1019 = arith.constant 0 : index
    %get3A_1020 = vector.load %arg4[%get3A_1018, %get3A_1019] : memref<1x3xf32, #tpu.memory_space<vmem>>, vector<1x3xf32>
    %dot_general3A = arith.constant dense<0.000000e+00> : vector<16x3xf32>
    %dot_general3A_1021 = tpu.matmul %concatenate3A, %get3A_1017, %dot_general3A {dimension_numbers = #tpu.dot_dimension_numbers<[1], [0], [0], [1], [0, 0, 1, 1], [], []>, transpose_lhs_hint = false} : vector<16x10xf32>, vector<10x3xf32>, vector<16x3xf32> -> vector<16x3xf32>
    %add3A_1022 = vector.broadcast %get3A_1020 : vector<1x3xf32> to vector<16x3xf32>
    %add3A_1023 = arith.addf %add3A_1022, %dot_general3A_1021 : vector<16x3xf32>
    %concatenate3A_1024 = tpu.concatenate %add3A_1023, %add3A_975, %add3A_988, %add3A_1001 in 1 : vector<16x3xf32>, vector<16x1xf32>, vector<16x1xf32>, vector<16x1xf32> -> vector<16x6xf32>
    %swap3A = arith.constant 0 : index
    %swap3A_1025 = arith.constant 0 : index
    %swap3A_1026 = vector.load %arg5[%swap3A, %swap3A_1025] : memref<16x6xf32, #tpu.memory_space<vmem>>, vector<16x6xf32>
    tpu.vector_store %arg5[%swap3A, %swap3A_1025], %concatenate3A_1024 {strides = array<i32>} : memref<16x6xf32, #tpu.memory_space<vmem>>, vector<16x6xf32>,
    return
  }
}

</mosaic_0001>

<sc_bundles>
// kernel: kernel.4.cloned.1.call-start
scs
__scs_entry_jumppad:
0x0: {  	(pc) =	sbr.rel $0x88, $3  }
0x1: {  	(tag) =	ssettag $0x0;
	lr =	simm.s32 $0x1  }
0x2: {  	[smem:$0x3F9D] =	sst lr;
	_ =	strace $0xD0000000  }
0x3: {  	_ = 	snop  }
0x4: {  	_ = 	snop  }
0x5: {  	_ = 	snop  }
0x6: {  	_ = 	snop  }
0x7: {  	_ = 	snop  }
__scs_overlays_trampoline_lowered:
0x8: {  	[smem:$0x3FAC] =	sst s0  }
0x9: {  	[smem:$0x3FAD] =	sst s1  }
0xa: {  	[smem:$0x3FAE] =	sst s2  }
0xb: {  	[smem:$0x3FAF] =	sst s3  }
0xc: {  	[smem:$0x3FB0] =	sst s4  }
0xd: {  	[smem:$0x3FB1] =	sst s5  }
0xe: {  	[smem:$0x3FB2] =	sst s6  }
0xf: {  	[smem:$0x3FB3] =	sst s7  }
0x10: {  	[smem:$0x3FB4] =	sst s8  }
0x11: {  	[smem:$0x3FB5] =	sst s9;
	s0 =	simm.s32 @!p0 $0x0  }
0x12: {  	s1 =	sld [smem:$0x3F9B];
	s0 =	simm.s32 @p0 $0x1  }
0x13: {  	[smem:$0x3FB6] =	sst s0;
	s0 =	simm.s32 @!p1 $0x0  }
0x14: {  	s2 =	sld [smem:$0x3F9A];
	s0 =	simm.s32 @p1 $0x1  }
0x15: {  	[smem:$0x3FB7] =	sst s0;
	s0 =	simm.s32 @!p2 $0x0  }
0x16: {  	s3 =	sld [smem:$0x3FDB];
	s0 =	simm.s32 @p2 $0x1  }
0x17: {  	s4 =	simm.s32 $0x1BF5;
	[smem:$0x3FB9] =	sst s0  }
0x18: {  	s0 =	sld [smem:$0x3F9C];
	_ =	swait.ge [sflag:s4], $0x0  }
0x19: {  	s7 =	sld [smem:$0x3F9D]  }
0x1a: {  	s8 =	sadd.s32 $0xFFFFE003, lr  }
0x1b: {  	s9 =	sadd.s32 $0xFFFFFEF7, lr;
	s5 =	simm.s32 $0xFFFFFFFF;
	p2 =	slt.u32 s8, $0xFFFFF086  }
0x1c: {  	p1 =	slt.u32 s9, $0xF7A;
	s5 =	simm.s32 @!p2 $0x0  }
0x1d: {  	s5 =	simm.s32 @p1 $0x1;
	p0 =	seq.s32 s7, s2  }
0x1e: {  	s7 =	smul.u32 @!p0 $0xF7A, s2;
	p2 =	seq.s32 @!p0 s5, $0x0  }
0x1f: {  	s9 =	smul.u32 $0xF7A, s1;
	s8 =	simm.s32 @!p0 $0x1BF5;
	p2 =	por !p2, p0  }
0x20: {  	[sflag:s8] =	ssyncset.s32 @!p0 $0xFFFFF086;
	s6 =	sadd.s32 @!p0 s3, s7;
	s7 =	simm.s32 @!p0 $0x108  }
0x21: {  	s3 =	sadd.s32 s3, s9;
	s6 =	sadd.s32 @!p0 $0x88, s6;
	s7 =	simm.s32 @p2 $0x1082  }
0x22: {  	[simem:s7], [sflag:s8] =	dma.local @!p0 [hbm:s6], $0xF7A  }
0x23: {  	s9 =	sor.u32 $0xD0000000, s2;
	s6 =	simm.s32 $0x108;
	_ =	swait.ge @!p0 [sflag:s8], $0x0  }
0x24: {  	s3 =	sadd.s32 $0x88, s3;
	s6 =	simm.s32 @!p1 $0x1082;
	[sflag:s4] =	ssyncset.s32 $0xFFFFF086  }
0x25: {  	[simem:s6], [sflag:s4] =	dma.local [hbm:s3], $0xF7A  }
0x26: {  	[smem:$0x3F9D] =	sst s1;
	(tag) =	ssettag s2;
	_ =	strace s9  }
0x27: {  	s1 =	sld [smem:$0x3FAD]  }
0x28: {  	s2 =	sld [smem:$0x3FAE]  }
0x29: {  	s4 =	sld [smem:$0x3FB0]  }
0x2a: {  	p0 =	seq.s32 s5, $0x0;
	s5 =	sld [smem:$0x3FB1]  }
0x2b: {  	s6 =	sld [smem:$0x3FB2]  }
0x2c: {  	s7 =	sld [smem:$0x3FB3]  }
0x2d: {  	s3 =	simm.s32 $0x108;
	s8 =	sld [smem:$0x3FB4]  }
0x2e: {  	s3 =	simm.s32 @!p0 $0x1082;
	s9 =	sld [smem:$0x3FB5]  }
0x2f: {  	lr =	sadd.s32 s0, s3;
	s0 =	sld [smem:$0x3FAC]  }
0x30: {  	s3 =	sld [smem:$0x3FAF]  }
0x31: {  	[smem:$0x3FB8] =	sst s10  }
0x32: {  	s10 =	sld [smem:$0x3FB6];
	_ =	sdelay $0x3  }
0x33: {  	p0 =	seq.s32 s10, $0x1;
	s10 =	sld [smem:$0x3FB8];
	_ =	sdelay $0x3  }
0x34: {  	[smem:$0x3FB8] =	sst s10  }
0x35: {  	s10 =	sld [smem:$0x3FB7];
	_ =	sdelay $0x3  }
0x36: {  	p1 =	seq.s32 s10, $0x1;
	s10 =	sld [smem:$0x3FB8];
	_ =	sdelay $0x3  }
0x37: {  	[smem:$0x3FB8] =	sst s10  }
0x38: {  	s10 =	sld [smem:$0x3FB9]  }
0x39: {  	_ = 	snop;
	(pc) =	sbr.ind lr, $3  }
0x3a: {  	_ = 	snop  }
0x3b: {  	_ = 	snop  }
0x3c: {  	p2 =	seq.s32 s10, $0x1;
	s10 =	sld [smem:$0x3FB8]  }
0x3d: {  	_ =	shalt  }
0x3e: {  	_ =	shalt  }
0x3f: {  	_ =	shalt  }
0x40: {  	_ =	shalt  }
0x41: {  	_ =	shalt  }
0x42: {  	_ =	shalt  }
0x43: {  	_ =	shalt  }
0x44: {  	_ =	shalt  }
0x45: {  	_ =	shalt  }
0x46: {  	_ =	shalt  }
0x47: {  	_ =	shalt  }
0x48: {  	_ =	shalt  }
0x49: {  	_ =	shalt  }
0x4a: {  	_ =	shalt  }
0x4b: {  	_ =	shalt  }
0x4c: {  	_ =	shalt  }
0x4d: {  	_ =	shalt  }
0x4e: {  	_ =	shalt  }
0x4f: {  	_ =	shalt  }
0x50: {  	_ =	shalt  }
0x51: {  	_ =	shalt  }
0x52: {  	_ =	shalt  }
0x53: {  	_ =	shalt  }
0x54: {  	_ =	shalt  }
0x55: {  	_ =	shalt  }
0x56: {  	_ =	shalt  }
0x57: {  	_ =	shalt  }
0x58: {  	_ =	shalt  }
0x59: {  	_ =	shalt  }
0x5a: {  	_ =	shalt  }
0x5b: {  	_ =	shalt  }
0x5c: {  	_ =	shalt  }
0x5d: {  	_ =	shalt  }
0x5e: {  	_ =	shalt  }
0x5f: {  	_ =	shalt  }
0x60: {  	_ =	shalt  }
0x61: {  	_ =	shalt  }
0x62: {  	_ =	shalt  }
0x63: {  	_ =	shalt  }
0x64: {  	_ =	shalt  }
0x65: {  	_ =	shalt  }
0x66: {  	_ =	shalt  }
0x67: {  	_ =	shalt  }
0x68: {  	_ =	shalt  }
0x69: {  	_ =	shalt  }
0x6a: {  	_ =	shalt  }
0x6b: {  	_ =	shalt  }
0x6c: {  	_ =	shalt  }
0x6d: {  	_ =	shalt  }
0x6e: {  	_ =	shalt  }
0x6f: {  	_ =	shalt  }
0x70: {  	_ =	shalt  }
0x71: {  	_ =	shalt  }
0x72: {  	_ =	shalt  }
0x73: {  	_ =	shalt  }
0x74: {  	_ =	shalt  }
0x75: {  	_ =	shalt  }
0x76: {  	_ =	shalt  }
0x77: {  	_ =	shalt  }
0x78: {  	_ =	shalt  }
0x79: {  	_ =	shalt  }
0x7a: {  	_ =	shalt  }
0x7b: {  	_ =	shalt  }
0x7c: {  	_ =	shalt  }
0x7d: {  	_ =	shalt  }
0x7e: {  	_ =	shalt  }
0x7f: {  	_ =	shalt  }
0x80: {  	_ =	shalt  }
0x81: {  	_ =	shalt  }
0x82: {  	_ =	shalt  }
0x83: {  	_ =	shalt  }
0x84: {  	_ =	shalt  }
0x85: {  	_ =	shalt  }
0x86: {  	_ =	shalt  }
0x87: {  	_ =	shalt  }
.Lfunc_end0:
.L_simem_size_0:
called_computation_lowered:
.L_overlay_start_0:
0x88: {  	s2 =	sld [smem:$0x3FD9]  }
0x89: {  	s3 =	sld [smem:$0x3FFE];
	_ =	sdelay $0x1  }
0x8a: {  	s1 =	srdreg.scid  }
0x8b: {  	s0 =	sand.u32 $0x1, s1  }
0x8c: {  	s17 =	sshll.u32 s0, $0xA;
	s2 =	sadd.s32 s3, s2  }
0x8d: {  	s2 =	sadd.s32 s2, s17  }
0x8e: {  	[smem:$0x3FC4] =	sst s2  }
0x8f: {  	_ = 	snop  }
0x90: {  	s2 =	sld [smem:$0x3FD0];
	(tm) =	ssettm $0x1  }
0x91: {  	s18 =	sld [smem:$0x3FFB];
	_ =	sdelay $0x3  }
0x92: {  	_ =	strace s18  }
0x93: {  	s3 =	sld [smem:$0x3FFC];
	_ =	sdelay $0x3  }
0x94: {  	_ =	strace s3  }
0x95: {  	s3 =	sld [smem:$0x3FFD];
	_ =	sdelay $0x3  }
0x96: {  	_ =	strace s3  }
0x97: {  	_ =	strace $0x8FFFFFFF  }
0x98: {  	s19 =	sld [smem:$0x3FDB];
	_ =	sdelay $0x1  }
0x99: {  	s4 =	simm.s32 $_scs_section_size  }
0x9a: {  	s5 =	simm.s32 $_size__tile_overlayer_lowered;
	s6 =	simm.s32 $_tile_overlayer_lowered  }
0x9b: {  	s22 =	simm.s32 $0x1BFF;
	s21 =	sshll.u32 s6, $0x1;
	s3 =	sadd.s32 s4, s19  }
0x9c: {  	s7 =	simm.s32 $0x0;
	s20 =	sshll.u32 s5, $0x1;
	s5 =	sadd.s32 s21, s3  }
0x9d: {  	[timem:s7], [sflag:s22] =	dma.local [hbm:s5], s20  }
0x9e: {  	_ =	swait.ge [sflag:s22], s20  }
0x9f: {  	s4 =	ssub.s32 $0x0, s20;
	[sflag:s22] =	ssyncset.done $0x0  }
0xa0: {  	[sflag:s22] =	ssyncadd.s32 s4;
	_ =	sdelay $0x1  }
0xa1: {  	s23 =	simm.s32 $0x1B8B  }
0xa2: {  	_ =	swait.ge [sflag:s23], $0x1  }
0xa3: {  	[sflag:s23] =	ssyncset.done $0x0  }
0xa4: {  	s25 =	simm.s32 $0x1B8E;
	s24 =	sld [smem:$0x3FFE];
	[sflag:s23] =	ssyncadd.s32 $0xFFFFFFFF  }
0xa5: {  	s26 =	simm.s32 $execute0_lowered;
	[smem:$0x3FD2] =	sst s25  }
0xa6: {  	s5 =	sshll.u32 s26, $0x1;
	_ =	strace $0x80000046;
	[dreg:$0x1] =	wrdreg $0xFFFFFFFF  }
0xa7: {  	s28 =	simm.s32 $_size_execute0_lowered;
	s3 =	sadd.s32 s3, s5;
	[dreg:$0x0] =	wrdreg $0x0  }
0xa8: {  	s5 =	sshll.u32 s28, $0x1;
	[dreg:$0x2] =	wrdreg s3  }
0xa9: {  	[dreg:$0x3] =	wrdreg s5  }
0xaa: {  	[dreg:$0x4] =	wrdreg $0xC0  }
0xab: {  	_ =	task [dreg:s7], $0x5FFFF  }
0xac: {  	[dreg:$0x1] =	wrdreg $0xFFFFFFFF  }
0xad: {  	[dreg:$0x0] =	wrdreg $0x60  }
0xae: {  	[dreg:$0x2] =	wrdreg s24  }
0xaf: {  	[dreg:$0x3] =	wrdreg s2  }
0xb0: {  	[dreg:$0x4] =	wrdreg $0x9  }
0xb1: {  	_ =	task.clear_ibuf [dreg:s7], $0x5FFFF;
	_ =	strace $0x90000046  }
0xb2: {  	s29 =	simm.s32 $0x9;
	_ =	strace $0x80000048  }
0xb3: {  	_ =	swait.ge [sflag:s29], $0x1  }
0xb4: {  	[sflag:s29] =	ssyncadd.s32 $0xFFFFFFFF  }
0xb5: {  	_ =	strace $0x90000048  }
0xb6: {  	_ =	sfence  }
0xb7: {  	s30 =	sld [smem:$0x0];
	_ =	sdelay $0x2  }
0xb8: {  	s31 =	sshll.u32 s1, $0xD;
	s1 =	sshrl.u32 s1, $0x2  }
0xb9: {  	s3 =	sand.u32 $0x4000, s31;
	s1 =	sadd.s32 s1, s30  }
0xba: {  	s0 =	sor.u32 s3, s0;
	s1 =	sshll.u32 s1, $0x11  }
0xbb: {  	s0 =	sor.u32 s1, s0  }
0xbc: {  	s0 =	sadd.s32 $0x8F2B, s0  }
0xbd: {  	[sflag:s0] =	ssyncadd.remote.s32 $0x1  }
0xbe: {  	_ =	sfence.sel $0xFFFF  }
0xbf: {  	[dreg:$0x0] =	wrdreg $0xFFFFFFFF;
	(pc) =	sbr.abs _section_cstart, $3  }
0xc0: {  	[dreg:$0x1] =	wrdreg $0xFFFFFFFF  }
0xc1: {  	_ =	task.clear_ibuf [dreg:s7], $0x2FFFF;
	_ =	strace $0x9FFFFFFF  }
0xc2: {  	(tm) =	ssettm $0x7FFFFFFF  }
0xc3: {  	_ =	shalt  }
tec
execute0_lowered:
.L_overlay_start_1:
0x0: {  	(tag) =	ssettag $0x1  }
0x1: {  	s9 =	rddreg [dreg:$0x0];
	s1 =	srdreg.scid  }
0x2: {  	s0 =	stileid.u32;
	s2 =	rddreg [dreg:$0x1]  }
0x3: {  	s3 =	simm.s32 $0x0;
	s17 =	simm.s32 $0x2;
	s18 =	simm.s32 $0xC80  }
0x4: {  	s20 =	simm.s32 $0x2600;
	s4 =	sand.u32 $0x1, s1;
	s1 =	rddreg [dreg:$0x2]  }
0x5: {  	s21 =	simm.s32 $0x0;
	s5 =	sshll.u32 s0, $0x1;
	[smem:$0x7FF] =	sst s3  }
0x6: {  	s8 =	sadd.s32 $0x6178, s9;
	s16 =	sor.u32 s4, s5;
	_ =	strace $0x80000047  }
0x7: {  	s4 =	ssub.s32 $0x2, s4;
	s19 =	smul.u32 $0xC40, s16;
	s5 =	sshll.u32 s16, $0x1  }
0x8: {  	s6 =	sshrl.u32 s4, $0x1;
	p0 =	seq.s32 s16, $0x1F;
	s16 =	simm.s32 $0x2580  }
0x9: {  	s14 =	sadd.s32 s5, s9;
	s15 =	ssub.s32 s4, s6;
	s7 =	sshrl.u32 s19, $0x3  }
0xa: {  	v0 =	vlaneseq.u32;
	s10 =	sadd.s32 $0x9600, s14;
	s11 =	sadd.s32 $0x9640, s14;
	s12 =	sadd.s32 $0x9680, s14  }
0xb: {  	v2 =	vmul.u32 $0xFFFFFFFF, v0;
	s13 =	sadd.s32 $0x96C0, s14;
	s14 =	sadd.s32 $0x9700, s14;
	s15 =	smax.u32 s15, $0x1  }
0xc: {  	v1 =	vmov s19;
	s19 =	simm.s32 $0x1900;
	s4 =	sadd.s32 s9, s7;
	s7 =	sadd.s32 $0x9378, s9  }
0xd: {  	v2 =	vadd.s32 $0xF, v2;
	s9 =	sadd.s32 $0x2F78, s9;
	s5 =	sadd.s32 $0x6400, s4;
	s6 =	sadd.s32 $0x3200, s4  }
.LBB2_1:
0xe: {  	s22 =	simm.s32 @p0 $0x0  }
0xf: {  	[tilespmem:s22], [sflag:$0x1] =	stream.linear.gather @p0 [hbm4b:s7+s22], $0xAE0, $0x38;
	[tilespmem:$0x2680] =	vst v63  }
0x10: {  	s23 =	simm.s32 @p0 $0xC80  }
0x11: {  	[tilespmem:s23], [sflag:$0x1] =	stream.linear.gather @p0 [hbm4b:s8+s22], $0xAE0, $0x38;
	[tilespmem:$0x2680] =	vst v63  }
0x12: {  	s23 =	simm.s32 @p0 $0x1900  }
0x13: {  	[tilespmem:s23], [sflag:$0x1] =	stream.linear.gather @p0 [hbm4b:s9+s22], $0xAE0, $0x38;
	[tilespmem:$0x2680] =	vst v63  }
0x14: {  	s22 =	simm.s32 @p0 $0x1  }
0x15: {  	_ =	swait.ge @p0 [sflag:s22], $0xAE0  }
0x16: {  	[sflag:s22] =	ssyncset.done @p0 $0x0  }
0x17: {  	[sflag:s22] =	ssyncadd.s32 @p0 $0xFFFFF520  }
0x18: {  	_ =	swait.ge @p0 [sflag:s22], $0xAE0  }
0x19: {  	[sflag:s22] =	ssyncset.done @p0 $0x0  }
0x1a: {  	[sflag:s22] =	ssyncadd.s32 @p0 $0xFFFFF520  }
0x1b: {  	_ =	swait.ge @p0 [sflag:s22], $0xAE0  }
0x1c: {  	[sflag:s22] =	ssyncset.done @p0 $0x0  }
0x1d: {  	[sflag:s22] =	ssyncadd.s32 @p0 $0xFFFFF520;
	s22 =	simm.s32 @!p0 $0x0  }
0x1e: {  	[tilespmem:s22], [sflag:$0x1] =	stream.linear.gather @!p0 [hbm4b:s5+s22], $0xC40, $0x38;
	[tilespmem:$0x2680] =	vst v63  }
0x1f: {  	s23 =	simm.s32 @!p0 $0xC80  }
0x20: {  	[tilespmem:s23], [sflag:$0x1] =	stream.linear.gather @!p0 [hbm4b:s6+s22], $0xC40, $0x38;
	[tilespmem:$0x2680] =	vst v63  }
0x21: {  	s23 =	simm.s32 @!p0 $0x1900  }
0x22: {  	[tilespmem:s23], [sflag:$0x1] =	stream.linear.gather @!p0 [hbm4b:s4+s22], $0xC40, $0x38;
	[tilespmem:$0x2680] =	vst v63  }
0x23: {  	s22 =	simm.s32 @!p0 $0x1  }
0x24: {  	_ =	swait.ge @!p0 [sflag:s22], $0xC40  }
0x25: {  	[sflag:s22] =	ssyncset.done @!p0 $0x0  }
0x26: {  	[sflag:s22] =	ssyncadd.s32 @!p0 $0xFFFFF3C0  }
0x27: {  	_ =	swait.ge @!p0 [sflag:s22], $0xC40  }
0x28: {  	[sflag:s22] =	ssyncset.done @!p0 $0x0  }
0x29: {  	[sflag:s22] =	ssyncadd.s32 @!p0 $0xFFFFF3C0  }
0x2a: {  	_ =	swait.ge @!p0 [sflag:s22], $0xC40  }
0x2b: {  	[sflag:s22] =	ssyncset.done @!p0 $0x0  }
0x2c: {  	[sflag:s22] =	ssyncadd.s32 @!p0 $0xFFFFF3C0  }
0x2d: {  	[tilespmem:s16], [sflag:$0x2] =	stream.linear.gather [hbm4b:s2+s3], $0x80, $0x38;
	[tilespmem:$0x2680] =	vst v63  }
0x2e: {  	_ =	swait.ge [sflag:s17], $0x80  }
0x2f: {  	[sflag:s17] =	ssyncset.done $0x0  }
0x30: {  	[sflag:s17] =	ssyncadd.s32 $0xFFFFFF80  }
0x31: {  	v3 =	vld [tilespmem:$0x2580]  }
0x32: {  	v4 =	vld [tilespmem:$0x2590]  }
0x33: {  	v6 =	vld [tilespmem:s3+$0x0]  }
0x34: {  	v7 =	vld [tilespmem:s18+$0x0]  }
0x35: {  	v5 =	vld [tilespmem:$0x25A0]  }
0x36: {  	v8 =	vld [tilespmem:s19+$0x0];
	_ =	sdelay $0x2  }
0x37: {  	v6 =	vsub.f32 v6, v3;
	v7 =	vsub.f32 v7, v4;
	_ =	sdelay $0x1  }
0x38: {  	v8 =	vsub.f32 v8, v5;
	v6 =	vmul.f32 v6, v6;
	v7 =	vmul.f32 v7, v7;
	_ =	sdelay $0x1  }
0x39: {  	v6 =	vadd.f32 v7, v6;
	v7 =	vmul.f32 v8, v8;
	_ =	sdelay $0x1  }
0x3a: {  	v6 =	vadd.f32 v7, v6;
	v7 =	vadd.s32 s3, v1  }
0x3b: {  	vm0 =	vlt.u32 v7, $0x186A0  }
0x3c: {  	v7 =	vor.u32 s3, v0;
	v6 =	vnsel vm0, $0x7149F2CA, v6  }
0x3d: {  	(xrf1) =	vsort.ascd.msk.f32 $0xffff, v6, v7  }
0x3e: {  	s24 =	simm.s32 $0x10  }
0x3f: {  	s31 =	simm.s32 $0xC90;
	v6 =	vld [tilespmem:s24+$0x0]  }
0x40: {  	v7 =	vld [tilespmem:s31+$0x0]  }
0x41: {  	s22 =	simm.s32 $0x1910  }
0x42: {  	v8 =	vld [tilespmem:s22+$0x0];
	_ =	sdelay $0x2  }
0x43: {  	v6 =	vsub.f32 v6, v3;
	v7 =	vsub.f32 v7, v4;
	_ =	sdelay $0x1  }
0x44: {  	v8 =	vsub.f32 v8, v5;
	v6 =	vmul.f32 v6, v6;
	v7 =	vmul.f32 v7, v7;
	_ =	sdelay $0x1  }
0x45: {  	v6 =	vadd.f32 v7, v6;
	v7 =	vmul.f32 v8, v8;
	_ =	sdelay $0x1  }
0x46: {  	v6 =	vadd.f32 v7, v6;
	v7 =	vadd.s32 s24, v1;
	v9, v10, _ =	vpop (xrf1)  }
0x47: {  	v63 =	vor.u32 s24, v0;
	vm14 =	vlt.u32 v7, $0x186A0;
	v9 =	vperm.xlane v9, v2  }
0x48: {  	v8 =	vimm.f32 $1.000000020e+30;
	v6 =	vnsel vm14, $0x7149F2CA, v6;
	v7 =	vperm.xlane v10, v2  }
0x49: {  	v11 =	vimm.s32 $0x0;
	(xrf1) =	vsort.ascd.msk.f32 $0xffff, v6, v63;
	vm15 =	vle.f32 v8, v9  }
0x4a: {  	s23 =	simm.s32 $0x20;
	v8 =	vsel vm15, v8, v9;
	v7 =	vsel vm15, v11, v7  }
0x4b: {  	s24 =	simm.s32 $0xCA0;
	v6 =	vld [tilespmem:s23+$0x0];
	(xrf1) =	vsort.ascd.msk.f32 $0xffff, v8, v7  }
0x4c: {  	s25 =	simm.s32 $0x30;
	s26 =	simm.s32 $0x20;
	v7 =	vld [tilespmem:s24+$0x0]  }
.LBB2_2:
0x4d: {  	p1 =	sne.s32 s25, $0xC30;
	s22 =	sadd.s32 $0x10, s22  }
0x4e: {  	v8 =	vld [tilespmem:s22+$0x0];
	_ =	sdelay $0x2  }
0x4f: {  	v6 =	vsub.f32 v6, v3;
	v7 =	vsub.f32 v7, v4;
	_ =	sdelay $0x1  }
0x50: {  	v6 =	vmul.f32 v6, v6;
	v8 =	vsub.f32 v8, v5;
	v7 =	vmul.f32 v7, v7;
	_ =	sdelay $0x1  }
0x51: {  	v6 =	vadd.f32 v7, v6;
	v7 =	vmul.f32 v8, v8;
	_ =	sdelay $0x1  }
0x52: {  	v6 =	vadd.f32 v7, v6;
	v7 =	vadd.s32 s23, v1;
	v8, v9, _ =	vpop (xrf1)  }
0x53: {  	vm0 =	vlt.u32 v7, $0x186A0;
	v7 =	vperm.xlane v8, v2  }
.Ltmp0:
0x54: {  	v8 =	vor.u32 s23, v0;
	v9 =	vperm.xlane v9, v2;
	s23 =	smov.u32 s25;
	v6 =	vnsel vm0, $0x7149F2CA, v6;
	v10, v11, _ =	vpop (xrf1);
	(pc) =	sbr.rel @p1 .LBB2_2-.Ltmp0, $4  }
0x55: {  	(xrf1) =	vsort.ascd.msk.f32 $0xffff, v6, v8;
	vm0 =	vle.f32 v10, v7  }
0x56: {  	s26 =	sadd.s32 $0x10, s26;
	v7 =	vsel vm0, v10, v7;
	v8 =	vsel vm0, v11, v9  }
0x57: {  	s24 =	sadd.s32 $0x10, s24;
	v6 =	vld [tilespmem:s26+$0x0];
	(xrf1) =	vsort.ascd.msk.f32 $0xffff, v7, v8  }
0x58: {  	s25 =	sadd.s32 $0x10, s25;
	v7 =	vld [tilespmem:s24+$0x0]  }
0x59: {  	s22 =	sadd.s32 $0x10, s22  }
0x5a: {  	v8 =	vld [tilespmem:s22+$0x0];
	_ =	sdelay $0x2  }
0x5b: {  	v3 =	vsub.f32 v6, v3;
	v4 =	vsub.f32 v7, v4;
	_ =	sdelay $0x1  }
0x5c: {  	v3 =	vmul.f32 v3, v3;
	v5 =	vsub.f32 v8, v5;
	v4 =	vmul.f32 v4, v4;
	_ =	sdelay $0x1  }
0x5d: {  	v3 =	vadd.f32 v4, v3;
	v50 =	vmul.f32 v5, v5;
	_ =	sdelay $0x1  }
0x5e: {  	v51 =	vadd.s32 s23, v1;
	v3 =	vadd.f32 v50, v3;
	v53, v52, _ =	vpop (xrf1)  }
0x5f: {  	vm0 =	vlt.u32 v51, $0x186A0;
	v54 =	vperm.xlane v53, v2  }
0x60: {  	v55 =	vor.u32 s23, v0;
	v6 =	vperm.xlane v52, v2;
	v3 =	vnsel vm0, $0x7149F2CA, v3;
	v56, v57, _ =	vpop (xrf1)  }
0x61: {  	(xrf1) =	vsort.ascd.msk.f32 $0xffff, v3, v55;
	vm14 =	vle.f32 v56, v54  }
0x62: {  	v3 =	vsel vm14, v56, v54;
	v58 =	vsel vm14, v57, v6  }
0x63: {  	(xrf1) =	vsort.ascd.msk.f32 $0xffff, v3, v58;
	_ =	sdelay $0xb  }
0x64: {  	v3, v4, _ =	vpop (xrf1)  }
0x65: {  	v3 =	vperm.xlane v3, v2  }
0x66: {  	v4 =	vperm.xlane v4, v2;
	v59, v60, _ =	vpop (xrf1)  }
0x67: {  	vm15 =	vle.f32 v59, v3  }
0x68: {  	v3 =	vsel vm15, v59, v3;
	v4 =	vsel vm15, v60, v4  }
0x69: {  	(xrf1) =	vsort.ascd.msk.f32 $0xffff, v3, v4;
	_ =	sdelay $0xd  }
0x6a: {  	v3, v4, _ =	vpop (xrf1);
	_ =	sdelay $0x3  }
0x6b: {  	v61 =	vld.idx.msk [tilespmem:v4+s3+$0x0], $0xffff  }
0x6c: {  	v62 =	vld.idx.msk [tilespmem:v4+s18+$0x0], $0xffff  }
0x6d: {  	v63 =	vld.idx.msk [tilespmem:v4+s19+$0x0], $0xffff;
	[tilespmem:$0x2600] =	vst v3  }
0x6e: {  	[hbm4b:s10+s3] =	stream.linear.scatter [tilespmem:s20], [sflag:$0x2], $0x10, $0x38;
	[tilespmem:$0x2680] =	vst v63  }
0x6f: {  	v3 =	vadd.s32 v1, v4;
	_ =	swait.ge [sflag:s17], $0x10  }
0x70: {  	v3 =	vcvt.s32.f32 v3;
	[sflag:s17] =	ssyncset.done $0x0  }
0x71: {  	[sflag:s17] =	ssyncadd.s32 $0xFFFFFFF0  }
0x72: {  	[tilespmem:$0x2600] =	vst v3  }
0x73: {  	[hbm4b:s11+s3] =	stream.linear.scatter [tilespmem:s20], [sflag:$0x2], $0x10, $0x38;
	[tilespmem:$0x2680] =	vst v63  }
0x74: {  	_ =	swait.ge [sflag:s17], $0x10  }
0x75: {  	[sflag:s17] =	ssyncset.done $0x0  }
0x76: {  	[sflag:s17] =	ssyncadd.s32 $0xFFFFFFF0  }
0x77: {  	[tilespmem:$0x2600] =	vst v61  }
0x78: {  	[hbm4b:s12+s3] =	stream.linear.scatter [tilespmem:s20], [sflag:$0x2], $0x10, $0x38;
	[tilespmem:$0x2680] =	vst v63  }
0x79: {  	_ =	swait.ge [sflag:s17], $0x10  }
0x7a: {  	[sflag:s17] =	ssyncset.done $0x0  }
0x7b: {  	[sflag:s17] =	ssyncadd.s32 $0xFFFFFFF0  }
0x7c: {  	[tilespmem:$0x2600] =	vst v62  }
0x7d: {  	[hbm4b:s13+s3] =	stream.linear.scatter [tilespmem:s20], [sflag:$0x2], $0x10, $0x38;
	[tilespmem:$0x2680] =	vst v63  }
0x7e: {  	_ =	swait.ge [sflag:s17], $0x10  }
0x7f: {  	s21 =	sadd.s32 $0x1, s21;
	[sflag:s17] =	ssyncset.done $0x0  }
0x80: {  	p1 =	sne.s32 s21, s15;
	[sflag:s17] =	ssyncadd.s32 $0xFFFFFFF0  }
.Ltmp1:
0x81: {  	[tilespmem:$0x2600] =	vst v63;
	(pc) =	sbr.rel @p1 .LBB2_1-.Ltmp1, $4  }
0x82: {  	[hbm4b:s14+s3] =	stream.linear.scatter [tilespmem:s20], [sflag:$0x2], $0x10, $0x38;
	[tilespmem:$0x2680] =	vst v63  }
0x83: {  	_ =	swait.ge [sflag:s17], $0x10  }
0x84: {  	[sflag:s17] =	ssyncset.done $0x0  }
0x85: {  	[sflag:s17] =	ssyncadd.s32 $0xFFFFFFF0  }
0x86: {  	_ =	sfence.sel $0x180000  }
0x87: {  	[bflag:$0x0] =	sbarrier.arrive $0xFFFF  }
0x88: {  	p0 =	sne.s32 s0, $0x0;
	_ =	strace $0x90000047  }
0x89: {  	s0 =	sadd.s32 @!p0 $0x100000, s1;
	[bflag:$0x2] =	sbarrier.arrive $0xFFFF  }
0x8a: {  	[sflag:s0] =	ssyncadd.tile.s32 @!p0 $0x1;
	_ =	shalt  }
.Lfunc_end2:
_tile_overlayer_lowered:
.L_overlay_start_2:
0x8b: {  	(tag) =	ssettag $0x2  }
0x8c: {  	s0 =	rddreg [dreg:$0x0];
	s2 =	stileid.u32  }
0x8d: {  	s1 =	rddreg [dreg:$0x1];
	p0 =	sne.s32 s2, $0x0  }
0x8e: {  	s3 =	rddreg [dreg:$0x2];
	[bflag:$0x3] =	sbarrier.arrive $0xFFFF;
	s2 =	simm.s32 @!p0 $0x1C02  }
0x8f: {  	[timem:s3], [sflag:s2] =	dma.local @!p0 [hbm:s0], s1  }
0x90: {  	s0 =	simm.s32 @!p0 $0x2  }
0x91: {  	_ =	swait.ge @!p0 [sflag:s0], s1  }
0x92: {  	s1 =	ssub.s32 @!p0 $0x0, s1;
	[sflag:s0] =	ssyncset.done @!p0 $0x0  }
0x93: {  	[sflag:s0] =	ssyncadd.s32 @!p0 s1  }
0x94: {  	[bflag:$0x3] =	sbarrier.arrive $0xFFFF  }
0x95: {  	_ =	shalt  }

</sc_bundles>
